<compile_context>
chip_gen: v7x
topology: tpu7x:2x2x1
jax: 0.10.2.dev20260603
libtpu: 0.0.44.dev20260713+nightly
codegen_flags: <defaults>
</compile_context>

<pallas_src>
import jax
import jax.numpy as jnp
from jax import lax
from jax.experimental import pallas as pl
from jax.experimental.pallas import tpu as pltpu
from jax.experimental.pallas import tpu_sc as plsc

D = 32
LANES = 16
NC = 2
NS = 16
NW = NC * NS
B = 16384
V = 1000000
BLK = 1024
NFULL = V // BLK
TAILV = NFULL * BLK
CAP = 1280
NSLOT = NW * CAP
RING = 256
SVPAD = 2 * B + CAP + 32


def _worker_id():
    return lax.axis_index("s") * NC + lax.axis_index("c")


def _block_start(wid):
    return jnp.where(wid < 16, 31 * wid, 496 + 30 * (wid - 16))


def _extract_body(sv_hbm, st_hbm, embT_hbm, tail_hbm, x_hbm,
                   sv_s, st_s, dbuf, stag, sem, sem2):
    wid = _worker_id()
    pltpu.sync_copy(st_hbm, st_s)
    stv = st_s[pl.ds(wid, LANES)]
    s0 = stv[0]
    n = jnp.minimum(stv[1] - s0, CAP)
    a0 = s0 & 7
    start_al = pl.multiple_of(s0 - a0, 8)
    pltpu.sync_copy(sv_hbm.at[pl.ds(start_al, CAP + 32)], sv_s)

    b0 = _block_start(wid)
    nb = jnp.where(wid < 16, 31, 30)
    is_last = wid == NW - 1

    def fire(bi):
        blk = b0 + bi
        return pltpu.async_copy(
            embT_hbm.at[:, pl.ds(blk * BLK, BLK)], dbuf.at[bi & 1], sem)

    lane_iota = lax.broadcasted_iota(jnp.int32, (LANES,), 0)

    def extract_run(carry, base, limit, buf):
        e0, f0 = carry

        def cond(c):
            e1, _ = c
            v = sv_s[pl.ds(a0 + e1, LANES)][0]
            return (e1 < n) & (v < limit)

        def body(c):
            e1, f1 = c
            v = sv_s[pl.ds(a0 + e1, LANES)][0]
            cc = v - base
            b_splat = jnp.zeros((LANES,), jnp.int32) + buf
            c_splat = jnp.zeros((LANES,), jnp.int32) + cc
            row = e1 & (RING - 1)
            g0 = plsc.load_gather(dbuf, [b_splat, lane_iota, c_splat])
            g1 = plsc.load_gather(dbuf, [b_splat, lane_iota + LANES, c_splat])
            stag[row, pl.ds(0, LANES)] = g0
            stag[row, pl.ds(LANES, LANES)] = g1
            return e1 + 1, f1

        e1, f1 = lax.while_loop(cond, body, (e0, f0))

        def flush_one(c):
            def do_flush(c2):
                e2, f2 = c2
                pltpu.async_copy(
                    stag.at[pl.ds(pl.multiple_of(f2 & (RING - 1), 128), 128)],
                    x_hbm.at[pl.ds(pl.multiple_of(wid * CAP + f2, 128), 128)],
                    sem2)
                return e2, f2 + 128

            return lax.cond(c[0] - c[1] >= 128, do_flush, lambda c2: c2, c)

        return flush_one(flush_one((e1, f1)))

    fire(0)

    def block_step(bi, carry):
        @pl.when(bi + 1 < nb)
        def _():
            fire(bi + 1)

        blk = b0 + bi
        pltpu.make_async_copy(
            embT_hbm.at[:, pl.ds(blk * BLK, BLK)], dbuf.at[bi & 1], sem
        ).wait()
        return extract_run(carry, blk * BLK, (blk + 1) * BLK, bi & 1)

    carry = lax.fori_loop(0, nb, block_step, (jnp.int32(0), jnp.int32(0)))

    @pl.when(is_last)
    def _():
        pltpu.sync_copy(tail_hbm, dbuf.at[0])

    def tail_or_not(c):
        return lax.cond(
            is_last,
            lambda cc: extract_run(cc, jnp.int32(TAILV), jnp.int32(V + 1), 0),
            lambda cc: cc,
            c)

    e, f = tail_or_not(carry)

    def final_flush(t, c):
        e1, f1 = c

        def do_flush(c2):
            e2, f2 = c2
            pltpu.async_copy(
                stag.at[pl.ds(pl.multiple_of(f2 & (RING - 1), 128), 128)],
                x_hbm.at[pl.ds(pl.multiple_of(wid * CAP + f2, 128), 128)],
                sem2)
            return e2, f2 + 128

        return lax.cond(f1 < e1, do_flush, lambda c2: c2, c)

    e, f = lax.fori_loop(0, CAP // 128, final_flush, (e, f))

    def drain(t, c):
        @pl.when(t * 128 < f)
        def _():
            pltpu.make_async_copy(
                stag.at[pl.ds(0, 128)],
                x_hbm.at[pl.ds(wid * CAP, 128)], sem2).wait()
        return c

    lax.fori_loop(0, CAP // 128, drain, 0)


def _slot_body(order_hbm, st_hbm, slot_hbm, ord_v, st_v, slot_v):
    wid = _worker_id()

    @pl.when(wid == 0)
    def _():
        pltpu.sync_copy(order_hbm, ord_v)
        pltpu.sync_copy(st_hbm, st_v)
        lane_iota = lax.broadcasted_iota(jnp.int32, (LANES,), 0)

        def chunk_b(c, w):
            rho = lane_iota + c * LANES
            tgt = ord_v[pl.ds(c * LANES, LANES)]
            stv = st_v[pl.ds(w, LANES)]
            s_w = stv[0]
            s_w1 = stv[1]
            hi = rho >= s_w1
            ow = w + hi.astype(jnp.int32)
            base = jnp.where(hi, s_w1, s_w)
            slot_vec = ow * CAP + rho - base
            plsc.store_scatter(slot_v, [tgt], slot_vec)

            def wcond(ww):
                return st_v[pl.ds(ww + 1, LANES)][0] <= (c + 1) * LANES

            return lax.while_loop(wcond, lambda ww: ww + 1, w)

        lax.fori_loop(0, (2 * B) // LANES, chunk_b, jnp.int32(0))
        pltpu.sync_copy(slot_v, slot_hbm)


def _dot_body(us_hbm, vs_hbm, de_hbm, x_hbm, out_hbm,
              us_v, vs_v, de_v, gu, gv, dot_v, o_v, sem):
    wid = _worker_id()
    nch = 4
    base = wid * nch
    pltpu.sync_copy(us_hbm.at[pl.ds(base, nch)], us_v)
    pltpu.sync_copy(vs_hbm.at[pl.ds(base, nch)], vs_v)
    pltpu.sync_copy(de_hbm.at[pl.ds(base, nch)], de_v)

    def fire(k):
        b = k & 1
        cu = pltpu.async_copy(x_hbm.at[us_v.at[k]], gu.at[b], sem)
        cv = pltpu.async_copy(x_hbm.at[vs_v.at[k]], gv.at[b], sem)
        return cu, cv

    lane_iota = lax.broadcasted_iota(jnp.int32, (LANES,), 0)
    last_lane = lane_iota == (LANES - 1)

    pending = fire(0)
    for k in range(nch):
        nxt = fire(k + 1) if k + 1 < nch else None
        for c in pending:
            c.wait()
        b = k & 1

        def pair_dot(p, _, b=b, k=k):
            u0 = gu[b, p, pl.ds(0, LANES)]
            u1 = gu[b, p, pl.ds(LANES, LANES)]
            v0 = gv[b, p, pl.ds(0, LANES)]
            v1 = gv[b, p, pl.ds(LANES, LANES)]
            s = u0 * v0 + u1 * v1
            cs = plsc.cumsum(s)
            idx = jnp.zeros((LANES,), jnp.int32) + (k * 128 + p)
            plsc.store_scatter(dot_v, [idx], cs, mask=last_lane)
            return _

        lax.fori_loop(0, 128, pair_dot, 0)
        pending = nxt

    def epilogue(g, _):
        dev = de_v[g // 8, pl.ds((g % 8) * LANES, LANES)]
        dd = dot_v[pl.ds(g * LANES, LANES)]
        x = dev * dd
        s = 1.0 / (1.0 + jnp.exp(-x))
        o_v[pl.ds(g * LANES, LANES)] = -s
        return _

    lax.fori_loop(0, (B // NW) // LANES, epilogue, 0)

    pltpu.sync_copy(o_v, out_hbm.at[pl.ds(wid * (B // NW), B // NW)])


def kernel(pair, emb):
    i = pair[:, 0].astype(jnp.int32)
    j = pair[:, 1].astype(jnp.int32)
    de = pair[:, 2].astype(jnp.float32).reshape(B // 128, 128)
    embT = emb.T

    vv = jnp.concatenate([i, j])
    sv = jnp.sort(vv)
    order = jnp.argsort(vv).astype(jnp.int32)

    bs_py = [31 * w if w < 16 else 496 + 30 * (w - 16) for w in range(NW)]
    wstart_v = jnp.array([b * BLK for b in bs_py], jnp.int32)
    starts = jnp.searchsorted(sv, wstart_v).astype(jnp.int32)
    starts33 = jnp.concatenate([starts, jnp.array([2 * B], jnp.int32)])
    st48 = jnp.pad(starts33, (0, 48 - 33), constant_values=0x7FFF0000)

    sv_pad = jnp.pad(sv, (0, SVPAD - 2 * B), constant_values=V + 10)
    tailp = jnp.pad(embT[:, TAILV:], ((0, 0), (0, BLK - (V - TAILV))))

    mesh = plsc.VectorSubcoreMesh(core_axis_name="c", subcore_axis_name="s")

    kslot = pl.kernel(
        _slot_body,
        out_type=jax.ShapeDtypeStruct((2 * B,), jnp.int32),
        mesh=mesh,
        compiler_params=pltpu.CompilerParams(needs_layout_passes=False),
        scratch_types=[
            pltpu.VMEM((2 * B,), jnp.int32),
            pltpu.VMEM((48,), jnp.int32),
            pltpu.VMEM((2 * B,), jnp.int32),
        ],
    )
    k1 = pl.kernel(
        _extract_body,
        out_type=jax.ShapeDtypeStruct((NSLOT, 128), jnp.float32),
        mesh=mesh,
        compiler_params=pltpu.CompilerParams(needs_layout_passes=False),
        scratch_types=[
            pltpu.VMEM((CAP + 32,), jnp.int32),
            pltpu.VMEM((48,), jnp.int32),
            pltpu.VMEM((2, D, BLK), jnp.float32),
            pltpu.VMEM((RING, 128), jnp.float32),
            pltpu.SemaphoreType.DMA,
            pltpu.SemaphoreType.DMA,
        ],
    )
    xrows = k1(sv_pad, st48, embT, tailp)

    slot = kslot(order, st48)
    uslot = slot[:B].reshape(B // 128, 128)
    vslot = slot[B:].reshape(B // 128, 128)

    k2 = pl.kernel(
        _dot_body,
        out_type=jax.ShapeDtypeStruct((B,), jnp.float32),
        mesh=mesh,
        compiler_params=pltpu.CompilerParams(needs_layout_passes=False),
        scratch_types=[
            pltpu.VMEM((4, 128), jnp.int32),
            pltpu.VMEM((4, 128), jnp.int32),
            pltpu.VMEM((4, 128), jnp.float32),
            pltpu.VMEM((2, 128, 128), jnp.float32),
            pltpu.VMEM((2, 128, 128), jnp.float32),
            pltpu.VMEM((B // NW,), jnp.float32),
            pltpu.VMEM((B // NW,), jnp.float32),
            pltpu.SemaphoreType.DMA,
        ],
    )
    out = k2(uslot, vslot, de, xrows)
    return out.reshape(B, 1)

# --- scband reference (transcript-rebuilt; emitter-appended) ---
"""Pipeline reference for scband-dwe-45509473468979 (READ-ONLY COPY).

The authoritative reference and input builder live on the scoring server;
editing this copy changes nothing except your own understanding.
"""

import jax, jax.numpy as jnp
import numpy as np

V = 1000000
D = 32
B = 16384


def setup_inputs(seed: int = 0) -> dict:
    key = jax.random.key(seed)
    k1, k2 = jax.random.split(key)
    pair = jax.random.randint(k1, (B, 3), 0, V)
    emb = jax.random.normal(k2, (V, D), dtype=jnp.float32) * 0.05
    return {"pair": pair, "emb": emb}


def reference(pair, emb):
    # pair columns: i, j, de (tf.split(pair, [1,1,1], 1))
    i = pair[:, 0]
    j = pair[:, 1]
    de = pair[:, 2:3].astype(jnp.float32)
    # embedding lookups (tf squeeze removes the length-1 middle dim)
    u = jnp.take(emb, i, axis=0)
    v = jnp.take(emb, j, axis=0)
    x = jnp.sum(u * v, axis=1, keepdims=True)
    x = de * x
    x = jax.nn.sigmoid(x)
    return -x

if __name__ == "__main__":
    import jax
    _d = setup_inputs()
    print(jax.jit(kernel)(*tuple(_d.values())))

</pallas_src>

<mosaic_0001>
#map = affine_map<(d0, d1) -> (0)>
module attributes {stable_mosaic.version = 14 : i64} {
  func.func @_slot_body(%arg0: i32, %arg1: i32, %arg2: memref<32768xi32, #tpu.memory_space<hbm>>, %arg3: memref<48xi32, #tpu.memory_space<hbm>>, %arg4: memref<32768xi32, #tpu.memory_space<hbm>>, %arg5: memref<32768xi32, #tpu.memory_space<vmem>>, %arg6: memref<48xi32, #tpu.memory_space<vmem>>, %arg7: memref<32768xi32, #tpu.memory_space<vmem>>) attributes {dimension_semantics = [#tpu.dimension_semantics<core_parallel>, #tpu.dimension_semantics<subcore_parallel>], iteration_bounds = array<i64: 2, 16>, scalar_prefetch = 0 : i64, scratch_operands = 3 : i64, tpu.core_type = #tpu.core_type<sc_vector_subcore>, window_params = [{transform_indices = #map}, {transform_indices = #map}, {transform_indices = #map}]} {
    %mul3A = arith.constant 2 : i32
    %mul3A_0 = arith.muli %arg1, %mul3A : i32
    %add3A = arith.addi %mul3A_0, %arg0 : i32
    %eq3A = arith.constant 0 : i32
    %eq3A_1 = arith.cmpi eq, %add3A, %eq3A : i32
    %convert_element_type3A = arith.extui %eq3A_1 : i1 to i32
    %cond3A = arith.constant 0 : i32
    %cond3A_2 = arith.cmpi ne, %convert_element_type3A, %cond3A : i32
    scf.if %cond3A_2 {
      "tpu.region"() ({
        %run_scoped3A = tpu.sem_alloc : memref<!tpu.dma_semaphore, #tpu.memory_space<semaphore_mem>>
        tpu.enqueue_dma source(%arg2 : memref<32768xi32, #tpu.memory_space<hbm>>) target(%arg5 : memref<32768xi32, #tpu.memory_space<vmem>>) target_semaphore(%run_scoped3A : memref<!tpu.dma_semaphore, #tpu.memory_space<semaphore_mem>>)
        tpu.wait_dma2 semaphore(%run_scoped3A : memref<!tpu.dma_semaphore, #tpu.memory_space<semaphore_mem>>) src(%arg2 : memref<32768xi32, #tpu.memory_space<hbm>>) dst(%arg5 : memref<32768xi32, #tpu.memory_space<vmem>>)
        tpu.yield
      }) : () -> ()
      "tpu.region"() ({
        %run_scoped3A = tpu.sem_alloc : memref<!tpu.dma_semaphore, #tpu.memory_space<semaphore_mem>>
        tpu.enqueue_dma source(%arg3 : memref<48xi32, #tpu.memory_space<hbm>>) target(%arg6 : memref<48xi32, #tpu.memory_space<vmem>>) target_semaphore(%run_scoped3A : memref<!tpu.dma_semaphore, #tpu.memory_space<semaphore_mem>>)
        tpu.wait_dma2 semaphore(%run_scoped3A : memref<!tpu.dma_semaphore, #tpu.memory_space<semaphore_mem>>) src(%arg3 : memref<48xi32, #tpu.memory_space<hbm>>) dst(%arg6 : memref<48xi32, #tpu.memory_space<vmem>>)
        tpu.yield
      }) : () -> ()
      %iota3A = tpu.iota {dimensions = array<i32: 0>} : vector<16xi32>
      %scan3A = arith.constant 0 : i32
      %scan3A_3 = arith.constant 0 : i32
      %scan3A_4 = arith.constant 2048 : i32
      %scan3A_5 = arith.addi %scan3A_3, %scan3A_4 : i32
      %scan3A_6 = arith.constant 1 : i32
      %scan3A_7 = scf.for %scan3A_9 = %scan3A_3 to %scan3A_5 step %scan3A_6 iter_args(%scan3A_10 = %scan3A) -> (i32)  : i32 {
        %mul3A_11 = arith.constant 16 : i32
        %mul3A_12 = arith.muli %scan3A_9, %mul3A_11 : i32
        %add3A_13 = vector.broadcast %mul3A_12 : i32 to vector<16xi32>
        %add3A_14 = arith.addi %iota3A, %add3A_13 : vector<16xi32>
        %mul3A_15 = arith.constant 16 : i32
        %mul3A_16 = arith.muli %scan3A_9, %mul3A_15 : i32
        %get3A = arith.index_cast %mul3A_16 : i32 to index
        %get3A_17 = tpu.vector_load %arg5[%get3A] {strides = array<i32>} : memref<32768xi32, #tpu.memory_space<vmem>>, vector<16xi32>,
        %get3A_18 = arith.index_cast %scan3A_10 : i32 to index
        %get3A_19 = tpu.vector_load %arg6[%get3A_18] {strides = array<i32>} : memref<48xi32, #tpu.memory_space<vmem>>, vector<16xi32>,
        %slice3A = vector.extract_strided_slice %get3A_19 {offsets = [0], sizes = [1], strides = [1]} : vector<16xi32> to vector<1xi32>
        %squeeze3A = vector.extract %slice3A[0] : i32 from vector<1xi32>
        %slice3A_20 = vector.extract_strided_slice %get3A_19 {offsets = [1], sizes = [1], strides = [1]} : vector<16xi32> to vector<1xi32>
        %squeeze3A_21 = vector.extract %slice3A_20[0] : i32 from vector<1xi32>
        %ge3A = vector.broadcast %squeeze3A_21 : i32 to vector<16xi32>
        %ge3A_22 = arith.cmpi sge, %add3A_14, %ge3A : vector<16xi32>
        %convert_element_type3A_23 = arith.extui %ge3A_22 : vector<16xi1> to vector<16xi32>
        %add3A_24 = vector.broadcast %scan3A_10 : i32 to vector<16xi32>
        %add3A_25 = arith.addi %add3A_24, %convert_element_type3A_23 : vector<16xi32>
        %broadcast_in_dim3A = vector.broadcast %squeeze3A_21 : i32 to vector<16xi32>
        %broadcast_in_dim3A_26 = vector.broadcast %squeeze3A : i32 to vector<16xi32>
        %select_n3A = arith.select %ge3A_22, %broadcast_in_dim3A, %broadcast_in_dim3A_26 : vector<16xi1>, vector<16xi32>
        %mul3A_27 = arith.constant 1280 : i32
        %mul3A_28 = vector.broadcast %mul3A_27 : i32 to vector<16xi32>
        %mul3A_29 = arith.muli %add3A_25, %mul3A_28 : vector<16xi32>
        %add3A_30 = arith.addi %mul3A_29, %add3A_14 : vector<16xi32>
        %sub3A = arith.subi %add3A_30, %select_n3A : vector<16xi32>
        tpu.vector_store_idx %arg7[%get3A_17], %sub3A : memref<32768xi32, #tpu.memory_space<vmem>>[vector<16xi32>], vector<16xi32>,
        %while3A = scf.while (%while3A_31 = %scan3A_10) : (i32) -> i32 {
          %add3A_32 = arith.constant 1 : i32
          %add3A_33 = arith.addi %while3A_31, %add3A_32 : i32
          %get3A_34 = arith.index_cast %add3A_33 : i32 to index
          %get3A_35 = tpu.vector_load %arg6[%get3A_34] {strides = array<i32>} : memref<48xi32, #tpu.memory_space<vmem>>, vector<16xi32>,
          %slice3A_36 = vector.extract_strided_slice %get3A_35 {offsets = [0], sizes = [1], strides = [1]} : vector<16xi32> to vector<1xi32>
          %squeeze3A_37 = vector.extract %slice3A_36[0] : i32 from vector<1xi32>
          %add3A_38 = arith.constant 1 : i32
          %add3A_39 = arith.addi %scan3A_9, %add3A_38 : i32
          %mul3A_40 = arith.constant 16 : i32
          %mul3A_41 = arith.muli %add3A_39, %mul3A_40 : i32
          %le3A = arith.cmpi sle, %squeeze3A_37, %mul3A_41 : i32
          scf.condition(%le3A) %while3A_31 : i32
        } do {
        ^bb0(%while3A_31: i32):
          %add3A_32 = arith.constant 1 : i32
          %add3A_33 = arith.addi %while3A_31, %add3A_32 : i32
          scf.yield %add3A_33 : i32
        }
        scf.yield %while3A : i32
      }
      %scan3A_8 = arith.constant 2048 : i32
      "tpu.region"() ({
        %run_scoped3A = tpu.sem_alloc : memref<!tpu.dma_semaphore, #tpu.memory_space<semaphore_mem>>
        tpu.enqueue_dma source(%arg7 : memref<32768xi32, #tpu.memory_space<vmem>>) target(%arg4 : memref<32768xi32, #tpu.memory_space<hbm>>) target_semaphore(%run_scoped3A : memref<!tpu.dma_semaphore, #tpu.memory_space<semaphore_mem>>)
        tpu.wait_dma2 semaphore(%run_scoped3A : memref<!tpu.dma_semaphore, #tpu.memory_space<semaphore_mem>>) src(%arg7 : memref<32768xi32, #tpu.memory_space<vmem>>) dst(%arg4 : memref<32768xi32, #tpu.memory_space<hbm>>)
        tpu.yield
      }) : () -> ()
    } else {
    }
    return
  }
}

#map = affine_map<(d0, d1) -> (0, 0)>
#map1 = affine_map<(d0, d1) -> (0)>
module attributes {stable_mosaic.version = 14 : i64} {
  func.func @_dot_body(%arg0: i32, %arg1: i32, %arg2: memref<128x128xi32, #tpu.memory_space<hbm>>, %arg3: memref<128x128xi32, #tpu.memory_space<hbm>>, %arg4: memref<128x128xf32, #tpu.memory_space<hbm>>, %arg5: memref<40960x128xf32, #tpu.memory_space<hbm>>, %arg6: memref<16384xf32, #tpu.memory_space<hbm>>, %arg7: memref<4x128xi32, #tpu.memory_space<vmem>>, %arg8: memref<4x128xi32, #tpu.memory_space<vmem>>, %arg9: memref<4x128xf32, #tpu.memory_space<vmem>>, %arg10: memref<2x128x128xf32, #tpu.memory_space<vmem>>, %arg11: memref<2x128x128xf32, #tpu.memory_space<vmem>>, %arg12: memref<512xf32, #tpu.memory_space<vmem>>, %arg13: memref<512xf32, #tpu.memory_space<vmem>>, %arg14: memref<!tpu.dma_semaphore, #tpu.memory_space<semaphore_mem>>) attributes {dimension_semantics = [#tpu.dimension_semantics<core_parallel>, #tpu.dimension_semantics<subcore_parallel>], iteration_bounds = array<i64: 2, 16>, scalar_prefetch = 0 : i64, scratch_operands = 8 : i64, tpu.core_type = #tpu.core_type<sc_vector_subcore>, window_params = [{transform_indices = #map}, {transform_indices = #map}, {transform_indices = #map}, {transform_indices = #map}, {transform_indices = #map1}]} {
    %mul3A = arith.constant 2 : i32
    %mul3A_0 = arith.muli %arg1, %mul3A : i32
    %add3A = arith.addi %mul3A_0, %arg0 : i32
    %mul3A_1 = arith.constant 4 : i32
    %mul3A_2 = arith.muli %add3A, %mul3A_1 : i32
    "tpu.region"() ({
      %run_scoped3A = tpu.sem_alloc : memref<!tpu.dma_semaphore, #tpu.memory_space<semaphore_mem>>
      %dma_start3A_226 = arith.constant 0 : i32
      %dma_start3A_227 = tpu.memref_slice %arg2[%mul3A_2, %dma_start3A_226] : memref<128x128xi32, #tpu.memory_space<hbm>> -> memref<4x128xi32, #tpu.memory_space<hbm>>
      %dma_start3A_228 = arith.constant 0 : i32
      %dma_start3A_229 = tpu.memref_slice %arg2[%mul3A_2, %dma_start3A_228] : memref<128x128xi32, #tpu.memory_space<hbm>> -> memref<4x128xi32, #tpu.memory_space<hbm>>
      tpu.enqueue_dma source(%dma_start3A_229 : memref<4x128xi32, #tpu.memory_space<hbm>>) target(%arg7 : memref<4x128xi32, #tpu.memory_space<vmem>>) target_semaphore(%run_scoped3A : memref<!tpu.dma_semaphore, #tpu.memory_space<semaphore_mem>>)
      %dma_wait3A_230 = arith.constant 0 : i32
      %dma_wait3A_231 = tpu.memref_slice %arg2[%mul3A_2, %dma_wait3A_230] : memref<128x128xi32, #tpu.memory_space<hbm>> -> memref<4x128xi32, #tpu.memory_space<hbm>>
      %dma_wait3A_232 = arith.constant 0 : i32
      %dma_wait3A_233 = tpu.memref_slice %arg2[%mul3A_2, %dma_wait3A_232] : memref<128x128xi32, #tpu.memory_space<hbm>> -> memref<4x128xi32, #tpu.memory_space<hbm>>
      tpu.wait_dma2 semaphore(%run_scoped3A : memref<!tpu.dma_semaphore, #tpu.memory_space<semaphore_mem>>) src(%dma_wait3A_233 : memref<4x128xi32, #tpu.memory_space<hbm>>) dst(%arg7 : memref<4x128xi32, #tpu.memory_space<vmem>>)
      tpu.yield
    }) : () -> ()
    "tpu.region"() ({
      %run_scoped3A = tpu.sem_alloc : memref<!tpu.dma_semaphore, #tpu.memory_space<semaphore_mem>>
      %dma_start3A_226 = arith.constant 0 : i32
      %dma_start3A_227 = tpu.memref_slice %arg3[%mul3A_2, %dma_start3A_226] : memref<128x128xi32, #tpu.memory_space<hbm>> -> memref<4x128xi32, #tpu.memory_space<hbm>>
      %dma_start3A_228 = arith.constant 0 : i32
      %dma_start3A_229 = tpu.memref_slice %arg3[%mul3A_2, %dma_start3A_228] : memref<128x128xi32, #tpu.memory_space<hbm>> -> memref<4x128xi32, #tpu.memory_space<hbm>>
      tpu.enqueue_dma source(%dma_start3A_229 : memref<4x128xi32, #tpu.memory_space<hbm>>) target(%arg8 : memref<4x128xi32, #tpu.memory_space<vmem>>) target_semaphore(%run_scoped3A : memref<!tpu.dma_semaphore, #tpu.memory_space<semaphore_mem>>)
      %dma_wait3A_230 = arith.constant 0 : i32
      %dma_wait3A_231 = tpu.memref_slice %arg3[%mul3A_2, %dma_wait3A_230] : memref<128x128xi32, #tpu.memory_space<hbm>> -> memref<4x128xi32, #tpu.memory_space<hbm>>
      %dma_wait3A_232 = arith.constant 0 : i32
      %dma_wait3A_233 = tpu.memref_slice %arg3[%mul3A_2, %dma_wait3A_232] : memref<128x128xi32, #tpu.memory_space<hbm>> -> memref<4x128xi32, #tpu.memory_space<hbm>>
      tpu.wait_dma2 semaphore(%run_scoped3A : memref<!tpu.dma_semaphore, #tpu.memory_space<semaphore_mem>>) src(%dma_wait3A_233 : memref<4x128xi32, #tpu.memory_space<hbm>>) dst(%arg8 : memref<4x128xi32, #tpu.memory_space<vmem>>)
      tpu.yield
    }) : () -> ()
    "tpu.region"() ({
      %run_scoped3A = tpu.sem_alloc : memref<!tpu.dma_semaphore, #tpu.memory_space<semaphore_mem>>
      %dma_start3A_226 = arith.constant 0 : i32
      %dma_start3A_227 = tpu.memref_slice %arg4[%mul3A_2, %dma_start3A_226] : memref<128x128xf32, #tpu.memory_space<hbm>> -> memref<4x128xf32, #tpu.memory_space<hbm>>
      %dma_start3A_228 = arith.constant 0 : i32
      %dma_start3A_229 = tpu.memref_slice %arg4[%mul3A_2, %dma_start3A_228] : memref<128x128xf32, #tpu.memory_space<hbm>> -> memref<4x128xf32, #tpu.memory_space<hbm>>
      tpu.enqueue_dma source(%dma_start3A_229 : memref<4x128xf32, #tpu.memory_space<hbm>>) target(%arg9 : memref<4x128xf32, #tpu.memory_space<vmem>>) target_semaphore(%run_scoped3A : memref<!tpu.dma_semaphore, #tpu.memory_space<semaphore_mem>>)
      %dma_wait3A_230 = arith.constant 0 : i32
      %dma_wait3A_231 = tpu.memref_slice %arg4[%mul3A_2, %dma_wait3A_230] : memref<128x128xf32, #tpu.memory_space<hbm>> -> memref<4x128xf32, #tpu.memory_space<hbm>>
      %dma_wait3A_232 = arith.constant 0 : i32
      %dma_wait3A_233 = tpu.memref_slice %arg4[%mul3A_2, %dma_wait3A_232] : memref<128x128xf32, #tpu.memory_space<hbm>> -> memref<4x128xf32, #tpu.memory_space<hbm>>
      tpu.wait_dma2 semaphore(%run_scoped3A : memref<!tpu.dma_semaphore, #tpu.memory_space<semaphore_mem>>) src(%dma_wait3A_233 : memref<4x128xf32, #tpu.memory_space<hbm>>) dst(%arg9 : memref<4x128xf32, #tpu.memory_space<vmem>>)
      tpu.yield
    }) : () -> ()
    %iota3A = tpu.iota {dimensions = array<i32: 0>} : vector<16xi32>
    %eq3A = arith.constant 15 : i32
    %eq3A_3 = vector.broadcast %eq3A : i32 to vector<16xi32>
    %eq3A_4 = arith.cmpi eq, %iota3A, %eq3A_3 : vector<16xi32>
    %dma_start3A = arith.constant 0 : i32
    %dma_start3A_5 = arith.constant 0 : i32
    %dma_start3A_6 = arith.constant 0 : i32
    %dma_start3A_7 = arith.constant 0 : i32
    %dma_start3A_8 = tpu.memref_slice %arg10[%dma_start3A_5, %dma_start3A_6, %dma_start3A_7] : memref<2x128x128xf32, #tpu.memory_space<vmem>> -> memref<1x128x128xf32, #tpu.memory_space<vmem>>
    %dma_start3A_9 = tpu.memref_squeeze %dma_start3A_8 : memref<1x128x128xf32, #tpu.memory_space<vmem>> -> memref<128x128xf32, #tpu.memory_space<vmem>>
    %dma_start3A_10 = arith.constant 0 : i32
    %dma_start3A_11 = tpu.memref_slice %arg7[%dma_start3A, %dma_start3A_10] : memref<4x128xi32, #tpu.memory_space<vmem>> -> memref<1x128xi32, #tpu.memory_space<vmem>>
    %dma_start3A_12 = tpu.memref_squeeze %dma_start3A_11 : memref<1x128xi32, #tpu.memory_space<vmem>> -> memref<128xi32, #tpu.memory_space<vmem>>
    %dma_start3A_13 = arith.constant 0 : i32
    %dma_start3A_14 = arith.constant 0 : i32
    %dma_start3A_15 = tpu.memref_slice %arg5[%dma_start3A_13, %dma_start3A_14] : memref<40960x128xf32, #tpu.memory_space<hbm>> -> memref<40960x128xf32, #tpu.memory_space<hbm>>
    tpu.enqueue_indirect_dma source(%dma_start3A_15 : memref<40960x128xf32, #tpu.memory_space<hbm>>) target(%dma_start3A_9 : memref<128x128xf32, #tpu.memory_space<vmem>>) offsets(%dma_start3A_12 : memref<128xi32, #tpu.memory_space<vmem>>) semaphore(%arg14 : memref<!tpu.dma_semaphore, #tpu.memory_space<semaphore_mem>>)
    %dma_start3A_16 = arith.constant 0 : i32
    %dma_start3A_17 = arith.constant 0 : i32
    %dma_start3A_18 = arith.constant 0 : i32
    %dma_start3A_19 = arith.constant 0 : i32
    %dma_start3A_20 = tpu.memref_slice %arg11[%dma_start3A_17, %dma_start3A_18, %dma_start3A_19] : memref<2x128x128xf32, #tpu.memory_space<vmem>> -> memref<1x128x128xf32, #tpu.memory_space<vmem>>
    %dma_start3A_21 = tpu.memref_squeeze %dma_start3A_20 : memref<1x128x128xf32, #tpu.memory_space<vmem>> -> memref<128x128xf32, #tpu.memory_space<vmem>>
    %dma_start3A_22 = arith.constant 0 : i32
    %dma_start3A_23 = tpu.memref_slice %arg8[%dma_start3A_16, %dma_start3A_22] : memref<4x128xi32, #tpu.memory_space<vmem>> -> memref<1x128xi32, #tpu.memory_space<vmem>>
    %dma_start3A_24 = tpu.memref_squeeze %dma_start3A_23 : memref<1x128xi32, #tpu.memory_space<vmem>> -> memref<128xi32, #tpu.memory_space<vmem>>
    %dma_start3A_25 = arith.constant 0 : i32
    %dma_start3A_26 = arith.constant 0 : i32
    %dma_start3A_27 = tpu.memref_slice %arg5[%dma_start3A_25, %dma_start3A_26] : memref<40960x128xf32, #tpu.memory_space<hbm>> -> memref<40960x128xf32, #tpu.memory_space<hbm>>
    tpu.enqueue_indirect_dma source(%dma_start3A_27 : memref<40960x128xf32, #tpu.memory_space<hbm>>) target(%dma_start3A_21 : memref<128x128xf32, #tpu.memory_space<vmem>>) offsets(%dma_start3A_24 : memref<128xi32, #tpu.memory_space<vmem>>) semaphore(%arg14 : memref<!tpu.dma_semaphore, #tpu.memory_space<semaphore_mem>>)
    %dma_start3A_28 = arith.constant 1 : i32
    %dma_start3A_29 = arith.constant 1 : i32
    %dma_start3A_30 = arith.constant 0 : i32
    %dma_start3A_31 = arith.constant 0 : i32
    %dma_start3A_32 = tpu.memref_slice %arg10[%dma_start3A_29, %dma_start3A_30, %dma_start3A_31] : memref<2x128x128xf32, #tpu.memory_space<vmem>> -> memref<1x128x128xf32, #tpu.memory_space<vmem>>
    %dma_start3A_33 = tpu.memref_squeeze %dma_start3A_32 : memref<1x128x128xf32, #tpu.memory_space<vmem>> -> memref<128x128xf32, #tpu.memory_space<vmem>>
    %dma_start3A_34 = arith.constant 0 : i32
    %dma_start3A_35 = tpu.memref_slice %arg7[%dma_start3A_28, %dma_start3A_34] : memref<4x128xi32, #tpu.memory_space<vmem>> -> memref<1x128xi32, #tpu.memory_space<vmem>>
    %dma_start3A_36 = tpu.memref_squeeze %dma_start3A_35 : memref<1x128xi32, #tpu.memory_space<vmem>> -> memref<128xi32, #tpu.memory_space<vmem>>
    %dma_start3A_37 = arith.constant 0 : i32
    %dma_start3A_38 = arith.constant 0 : i32
    %dma_start3A_39 = tpu.memref_slice %arg5[%dma_start3A_37, %dma_start3A_38] : memref<40960x128xf32, #tpu.memory_space<hbm>> -> memref<40960x128xf32, #tpu.memory_space<hbm>>
    tpu.enqueue_indirect_dma source(%dma_start3A_39 : memref<40960x128xf32, #tpu.memory_space<hbm>>) target(%dma_start3A_33 : memref<128x128xf32, #tpu.memory_space<vmem>>) offsets(%dma_start3A_36 : memref<128xi32, #tpu.memory_space<vmem>>) semaphore(%arg14 : memref<!tpu.dma_semaphore, #tpu.memory_space<semaphore_mem>>)
    %dma_start3A_40 = arith.constant 1 : i32
    %dma_start3A_41 = arith.constant 1 : i32
    %dma_start3A_42 = arith.constant 0 : i32
    %dma_start3A_43 = arith.constant 0 : i32
    %dma_start3A_44 = tpu.memref_slice %arg11[%dma_start3A_41, %dma_start3A_42, %dma_start3A_43] : memref<2x128x128xf32, #tpu.memory_space<vmem>> -> memref<1x128x128xf32, #tpu.memory_space<vmem>>
    %dma_start3A_45 = tpu.memref_squeeze %dma_start3A_44 : memref<1x128x128xf32, #tpu.memory_space<vmem>> -> memref<128x128xf32, #tpu.memory_space<vmem>>
    %dma_start3A_46 = arith.constant 0 : i32
    %dma_start3A_47 = tpu.memref_slice %arg8[%dma_start3A_40, %dma_start3A_46] : memref<4x128xi32, #tpu.memory_space<vmem>> -> memref<1x128xi32, #tpu.memory_space<vmem>>
    %dma_start3A_48 = tpu.memref_squeeze %dma_start3A_47 : memref<1x128xi32, #tpu.memory_space<vmem>> -> memref<128xi32, #tpu.memory_space<vmem>>
    %dma_start3A_49 = arith.constant 0 : i32
    %dma_start3A_50 = arith.constant 0 : i32
    %dma_start3A_51 = tpu.memref_slice %arg5[%dma_start3A_49, %dma_start3A_50] : memref<40960x128xf32, #tpu.memory_space<hbm>> -> memref<40960x128xf32, #tpu.memory_space<hbm>>
    tpu.enqueue_indirect_dma source(%dma_start3A_51 : memref<40960x128xf32, #tpu.memory_space<hbm>>) target(%dma_start3A_45 : memref<128x128xf32, #tpu.memory_space<vmem>>) offsets(%dma_start3A_48 : memref<128xi32, #tpu.memory_space<vmem>>) semaphore(%arg14 : memref<!tpu.dma_semaphore, #tpu.memory_space<semaphore_mem>>)
    %dma_wait3A = arith.constant 0 : i32
    %dma_wait3A_52 = arith.constant 0 : i32
    %dma_wait3A_53 = arith.constant 0 : i32
    %dma_wait3A_54 = arith.constant 0 : i32
    %dma_wait3A_55 = tpu.memref_slice %arg10[%dma_wait3A_52, %dma_wait3A_53, %dma_wait3A_54] : memref<2x128x128xf32, #tpu.memory_space<vmem>> -> memref<1x128x128xf32, #tpu.memory_space<vmem>>
    %dma_wait3A_56 = tpu.memref_squeeze %dma_wait3A_55 : memref<1x128x128xf32, #tpu.memory_space<vmem>> -> memref<128x128xf32, #tpu.memory_space<vmem>>
    %dma_wait3A_57 = arith.constant 0 : i32
    %dma_wait3A_58 = tpu.memref_slice %arg7[%dma_wait3A, %dma_wait3A_57] : memref<4x128xi32, #tpu.memory_space<vmem>> -> memref<1x128xi32, #tpu.memory_space<vmem>>
    %dma_wait3A_59 = tpu.memref_squeeze %dma_wait3A_58 : memref<1x128xi32, #tpu.memory_space<vmem>> -> memref<128xi32, #tpu.memory_space<vmem>>
    %dma_wait3A_60 = arith.constant 0 : i32
    %dma_wait3A_61 = arith.constant 0 : i32
    %dma_wait3A_62 = tpu.memref_slice %arg5[%dma_wait3A_60, %dma_wait3A_61] : memref<40960x128xf32, #tpu.memory_space<hbm>> -> memref<40960x128xf32, #tpu.memory_space<hbm>>
    tpu.wait_indirect_dma semaphore(%arg14 : memref<!tpu.dma_semaphore, #tpu.memory_space<semaphore_mem>>) src(%dma_wait3A_62 : memref<40960x128xf32, #tpu.memory_space<hbm>>) dst(%dma_wait3A_56 : memref<128x128xf32, #tpu.memory_space<vmem>>)
    %dma_wait3A_63 = arith.constant 0 : i32
    %dma_wait3A_64 = arith.constant 0 : i32
    %dma_wait3A_65 = arith.constant 0 : i32
    %dma_wait3A_66 = arith.constant 0 : i32
    %dma_wait3A_67 = tpu.memref_slice %arg11[%dma_wait3A_64, %dma_wait3A_65, %dma_wait3A_66] : memref<2x128x128xf32, #tpu.memory_space<vmem>> -> memref<1x128x128xf32, #tpu.memory_space<vmem>>
    %dma_wait3A_68 = tpu.memref_squeeze %dma_wait3A_67 : memref<1x128x128xf32, #tpu.memory_space<vmem>> -> memref<128x128xf32, #tpu.memory_space<vmem>>
    %dma_wait3A_69 = arith.constant 0 : i32
    %dma_wait3A_70 = tpu.memref_slice %arg8[%dma_wait3A_63, %dma_wait3A_69] : memref<4x128xi32, #tpu.memory_space<vmem>> -> memref<1x128xi32, #tpu.memory_space<vmem>>
    %dma_wait3A_71 = tpu.memref_squeeze %dma_wait3A_70 : memref<1x128xi32, #tpu.memory_space<vmem>> -> memref<128xi32, #tpu.memory_space<vmem>>
    %dma_wait3A_72 = arith.constant 0 : i32
    %dma_wait3A_73 = arith.constant 0 : i32
    %dma_wait3A_74 = tpu.memref_slice %arg5[%dma_wait3A_72, %dma_wait3A_73] : memref<40960x128xf32, #tpu.memory_space<hbm>> -> memref<40960x128xf32, #tpu.memory_space<hbm>>
    tpu.wait_indirect_dma semaphore(%arg14 : memref<!tpu.dma_semaphore, #tpu.memory_space<semaphore_mem>>) src(%dma_wait3A_74 : memref<40960x128xf32, #tpu.memory_space<hbm>>) dst(%dma_wait3A_68 : memref<128x128xf32, #tpu.memory_space<vmem>>)
    %scan3A = arith.constant 0 : i32
    %scan3A_75 = arith.constant 0 : i32
    %scan3A_76 = arith.constant 128 : i32
    %scan3A_77 = arith.addi %scan3A_75, %scan3A_76 : i32
    %scan3A_78 = arith.constant 1 : i32
    scf.for %scan3A_226 = %scan3A_75 to %scan3A_77 step %scan3A_78  : i32 {
      %get3A = arith.constant 0 : i32
      %get3A_227 = arith.index_cast %get3A : i32 to index
      %get3A_228 = arith.index_cast %scan3A_226 : i32 to index
      %get3A_229 = arith.constant 0 : index
      %get3A_230 = tpu.vector_load %arg10[%get3A_227, %get3A_228, %get3A_229] {strides = array<i32>} : memref<2x128x128xf32, #tpu.memory_space<vmem>>, vector<16xf32>,
      %get3A_231 = arith.constant 0 : i32
      %get3A_232 = arith.index_cast %get3A_231 : i32 to index
      %get3A_233 = arith.index_cast %scan3A_226 : i32 to index
      %get3A_234 = arith.constant 16 : index
      %get3A_235 = tpu.vector_load %arg10[%get3A_232, %get3A_233, %get3A_234] {strides = array<i32>} : memref<2x128x128xf32, #tpu.memory_space<vmem>>, vector<16xf32>,
      %get3A_236 = arith.constant 0 : i32
      %get3A_237 = arith.index_cast %get3A_236 : i32 to index
      %get3A_238 = arith.index_cast %scan3A_226 : i32 to index
      %get3A_239 = arith.constant 0 : index
      %get3A_240 = tpu.vector_load %arg11[%get3A_237, %get3A_238, %get3A_239] {strides = array<i32>} : memref<2x128x128xf32, #tpu.memory_space<vmem>>, vector<16xf32>,
      %get3A_241 = arith.constant 0 : i32
      %get3A_242 = arith.index_cast %get3A_241 : i32 to index
      %get3A_243 = arith.index_cast %scan3A_226 : i32 to index
      %get3A_244 = arith.constant 16 : index
      %get3A_245 = tpu.vector_load %arg11[%get3A_242, %get3A_243, %get3A_244] {strides = array<i32>} : memref<2x128x128xf32, #tpu.memory_space<vmem>>, vector<16xf32>,
      %mul3A_246 = arith.mulf %get3A_230, %get3A_240 : vector<16xf32>
      %mul3A_247 = arith.mulf %get3A_235, %get3A_245 : vector<16xf32>
      %add3A_248 = arith.addf %mul3A_246, %mul3A_247 : vector<16xf32>
      %broadcast_in_dim3A = arith.constant true
      %broadcast_in_dim3A_249 = vector.broadcast %broadcast_in_dim3A : i1 to vector<16xi1>
      %masked_cumsum3A = tpu.scan <sum>, %add3A_248 masked %broadcast_in_dim3A_249 : vector<16xf32>, vector<16xi1> -> vector<16xf32>
      %broadcast_in_dim3A_250 = arith.constant 0 : i32
      %broadcast_in_dim3A_251 = vector.broadcast %broadcast_in_dim3A_250 : i32 to vector<16xi32>
      %add3A_252 = arith.constant 0 : i32
      %add3A_253 = arith.addi %add3A_252, %scan3A_226 : i32
      %add3A_254 = vector.broadcast %add3A_253 : i32 to vector<16xi32>
      %add3A_255 = arith.addi %broadcast_in_dim3A_251, %add3A_254 : vector<16xi32>
      tpu.vector_store_idx %arg12[%add3A_255], %masked_cumsum3A masked %eq3A_4 : memref<512xf32, #tpu.memory_space<vmem>>[vector<16xi32>], vector<16xf32>, vector<16xi1>
    }
    %scan3A_79 = arith.constant 128 : i32
    %dma_start3A_80 = arith.constant 2 : i32
    %dma_start3A_81 = arith.constant 0 : i32
    %dma_start3A_82 = arith.constant 0 : i32
    %dma_start3A_83 = arith.constant 0 : i32
    %dma_start3A_84 = tpu.memref_slice %arg10[%dma_start3A_81, %dma_start3A_82, %dma_start3A_83] : memref<2x128x128xf32, #tpu.memory_space<vmem>> -> memref<1x128x128xf32, #tpu.memory_space<vmem>>
    %dma_start3A_85 = tpu.memref_squeeze %dma_start3A_84 : memref<1x128x128xf32, #tpu.memory_space<vmem>> -> memref<128x128xf32, #tpu.memory_space<vmem>>
    %dma_start3A_86 = arith.constant 0 : i32
    %dma_start3A_87 = tpu.memref_slice %arg7[%dma_start3A_80, %dma_start3A_86] : memref<4x128xi32, #tpu.memory_space<vmem>> -> memref<1x128xi32, #tpu.memory_space<vmem>>
    %dma_start3A_88 = tpu.memref_squeeze %dma_start3A_87 : memref<1x128xi32, #tpu.memory_space<vmem>> -> memref<128xi32, #tpu.memory_space<vmem>>
    %dma_start3A_89 = arith.constant 0 : i32
    %dma_start3A_90 = arith.constant 0 : i32
    %dma_start3A_91 = tpu.memref_slice %arg5[%dma_start3A_89, %dma_start3A_90] : memref<40960x128xf32, #tpu.memory_space<hbm>> -> memref<40960x128xf32, #tpu.memory_space<hbm>>
    tpu.enqueue_indirect_dma source(%dma_start3A_91 : memref<40960x128xf32, #tpu.memory_space<hbm>>) target(%dma_start3A_85 : memref<128x128xf32, #tpu.memory_space<vmem>>) offsets(%dma_start3A_88 : memref<128xi32, #tpu.memory_space<vmem>>) semaphore(%arg14 : memref<!tpu.dma_semaphore, #tpu.memory_space<semaphore_mem>>)
    %dma_start3A_92 = arith.constant 2 : i32
    %dma_start3A_93 = arith.constant 0 : i32
    %dma_start3A_94 = arith.constant 0 : i32
    %dma_start3A_95 = arith.constant 0 : i32
    %dma_start3A_96 = tpu.memref_slice %arg11[%dma_start3A_93, %dma_start3A_94, %dma_start3A_95] : memref<2x128x128xf32, #tpu.memory_space<vmem>> -> memref<1x128x128xf32, #tpu.memory_space<vmem>>
    %dma_start3A_97 = tpu.memref_squeeze %dma_start3A_96 : memref<1x128x128xf32, #tpu.memory_space<vmem>> -> memref<128x128xf32, #tpu.memory_space<vmem>>
    %dma_start3A_98 = arith.constant 0 : i32
    %dma_start3A_99 = tpu.memref_slice %arg8[%dma_start3A_92, %dma_start3A_98] : memref<4x128xi32, #tpu.memory_space<vmem>> -> memref<1x128xi32, #tpu.memory_space<vmem>>
    %dma_start3A_100 = tpu.memref_squeeze %dma_start3A_99 : memref<1x128xi32, #tpu.memory_space<vmem>> -> memref<128xi32, #tpu.memory_space<vmem>>
    %dma_start3A_101 = arith.constant 0 : i32
    %dma_start3A_102 = arith.constant 0 : i32
    %dma_start3A_103 = tpu.memref_slice %arg5[%dma_start3A_101, %dma_start3A_102] : memref<40960x128xf32, #tpu.memory_space<hbm>> -> memref<40960x128xf32, #tpu.memory_space<hbm>>
    tpu.enqueue_indirect_dma source(%dma_start3A_103 : memref<40960x128xf32, #tpu.memory_space<hbm>>) target(%dma_start3A_97 : memref<128x128xf32, #tpu.memory_space<vmem>>) offsets(%dma_start3A_100 : memref<128xi32, #tpu.memory_space<vmem>>) semaphore(%arg14 : memref<!tpu.dma_semaphore, #tpu.memory_space<semaphore_mem>>)
    %dma_wait3A_104 = arith.constant 1 : i32
    %dma_wait3A_105 = arith.constant 1 : i32
    %dma_wait3A_106 = arith.constant 0 : i32
    %dma_wait3A_107 = arith.constant 0 : i32
    %dma_wait3A_108 = tpu.memref_slice %arg10[%dma_wait3A_105, %dma_wait3A_106, %dma_wait3A_107] : memref<2x128x128xf32, #tpu.memory_space<vmem>> -> memref<1x128x128xf32, #tpu.memory_space<vmem>>
    %dma_wait3A_109 = tpu.memref_squeeze %dma_wait3A_108 : memref<1x128x128xf32, #tpu.memory_space<vmem>> -> memref<128x128xf32, #tpu.memory_space<vmem>>
    %dma_wait3A_110 = arith.constant 0 : i32
    %dma_wait3A_111 = tpu.memref_slice %arg7[%dma_wait3A_104, %dma_wait3A_110] : memref<4x128xi32, #tpu.memory_space<vmem>> -> memref<1x128xi32, #tpu.memory_space<vmem>>
    %dma_wait3A_112 = tpu.memref_squeeze %dma_wait3A_111 : memref<1x128xi32, #tpu.memory_space<vmem>> -> memref<128xi32, #tpu.memory_space<vmem>>
    %dma_wait3A_113 = arith.constant 0 : i32
    %dma_wait3A_114 = arith.constant 0 : i32
    %dma_wait3A_115 = tpu.memref_slice %arg5[%dma_wait3A_113, %dma_wait3A_114] : memref<40960x128xf32, #tpu.memory_space<hbm>> -> memref<40960x128xf32, #tpu.memory_space<hbm>>
    tpu.wait_indirect_dma semaphore(%arg14 : memref<!tpu.dma_semaphore, #tpu.memory_space<semaphore_mem>>) src(%dma_wait3A_115 : memref<40960x128xf32, #tpu.memory_space<hbm>>) dst(%dma_wait3A_109 : memref<128x128xf32, #tpu.memory_space<vmem>>)
    %dma_wait3A_116 = arith.constant 1 : i32
    %dma_wait3A_117 = arith.constant 1 : i32
    %dma_wait3A_118 = arith.constant 0 : i32
    %dma_wait3A_119 = arith.constant 0 : i32
    %dma_wait3A_120 = tpu.memref_slice %arg11[%dma_wait3A_117, %dma_wait3A_118, %dma_wait3A_119] : memref<2x128x128xf32, #tpu.memory_space<vmem>> -> memref<1x128x128xf32, #tpu.memory_space<vmem>>
    %dma_wait3A_121 = tpu.memref_squeeze %dma_wait3A_120 : memref<1x128x128xf32, #tpu.memory_space<vmem>> -> memref<128x128xf32, #tpu.memory_space<vmem>>
    %dma_wait3A_122 = arith.constant 0 : i32
    %dma_wait3A_123 = tpu.memref_slice %arg8[%dma_wait3A_116, %dma_wait3A_122] : memref<4x128xi32, #tpu.memory_space<vmem>> -> memref<1x128xi32, #tpu.memory_space<vmem>>
    %dma_wait3A_124 = tpu.memref_squeeze %dma_wait3A_123 : memref<1x128xi32, #tpu.memory_space<vmem>> -> memref<128xi32, #tpu.memory_space<vmem>>
    %dma_wait3A_125 = arith.constant 0 : i32
    %dma_wait3A_126 = arith.constant 0 : i32
    %dma_wait3A_127 = tpu.memref_slice %arg5[%dma_wait3A_125, %dma_wait3A_126] : memref<40960x128xf32, #tpu.memory_space<hbm>> -> memref<40960x128xf32, #tpu.memory_space<hbm>>
    tpu.wait_indirect_dma semaphore(%arg14 : memref<!tpu.dma_semaphore, #tpu.memory_space<semaphore_mem>>) src(%dma_wait3A_127 : memref<40960x128xf32, #tpu.memory_space<hbm>>) dst(%dma_wait3A_121 : memref<128x128xf32, #tpu.memory_space<vmem>>)
    %scan3A_128 = arith.constant 0 : i32
    %scan3A_129 = arith.constant 0 : i32
    %scan3A_130 = arith.constant 128 : i32
    %scan3A_131 = arith.addi %scan3A_129, %scan3A_130 : i32
    %scan3A_132 = arith.constant 1 : i32
    scf.for %scan3A_226 = %scan3A_129 to %scan3A_131 step %scan3A_132  : i32 {
      %get3A = arith.constant 1 : i32
      %get3A_227 = arith.index_cast %get3A : i32 to index
      %get3A_228 = arith.index_cast %scan3A_226 : i32 to index
      %get3A_229 = arith.constant 0 : index
      %get3A_230 = tpu.vector_load %arg10[%get3A_227, %get3A_228, %get3A_229] {strides = array<i32>} : memref<2x128x128xf32, #tpu.memory_space<vmem>>, vector<16xf32>,
      %get3A_231 = arith.constant 1 : i32
      %get3A_232 = arith.index_cast %get3A_231 : i32 to index
      %get3A_233 = arith.index_cast %scan3A_226 : i32 to index
      %get3A_234 = arith.constant 16 : index
      %get3A_235 = tpu.vector_load %arg10[%get3A_232, %get3A_233, %get3A_234] {strides = array<i32>} : memref<2x128x128xf32, #tpu.memory_space<vmem>>, vector<16xf32>,
      %get3A_236 = arith.constant 1 : i32
      %get3A_237 = arith.index_cast %get3A_236 : i32 to index
      %get3A_238 = arith.index_cast %scan3A_226 : i32 to index
      %get3A_239 = arith.constant 0 : index
      %get3A_240 = tpu.vector_load %arg11[%get3A_237, %get3A_238, %get3A_239] {strides = array<i32>} : memref<2x128x128xf32, #tpu.memory_space<vmem>>, vector<16xf32>,
      %get3A_241 = arith.constant 1 : i32
      %get3A_242 = arith.index_cast %get3A_241 : i32 to index
      %get3A_243 = arith.index_cast %scan3A_226 : i32 to index
      %get3A_244 = arith.constant 16 : index
      %get3A_245 = tpu.vector_load %arg11[%get3A_242, %get3A_243, %get3A_244] {strides = array<i32>} : memref<2x128x128xf32, #tpu.memory_space<vmem>>, vector<16xf32>,
      %mul3A_246 = arith.mulf %get3A_230, %get3A_240 : vector<16xf32>
      %mul3A_247 = arith.mulf %get3A_235, %get3A_245 : vector<16xf32>
      %add3A_248 = arith.addf %mul3A_246, %mul3A_247 : vector<16xf32>
      %broadcast_in_dim3A = arith.constant true
      %broadcast_in_dim3A_249 = vector.broadcast %broadcast_in_dim3A : i1 to vector<16xi1>
      %masked_cumsum3A = tpu.scan <sum>, %add3A_248 masked %broadcast_in_dim3A_249 : vector<16xf32>, vector<16xi1> -> vector<16xf32>
      %broadcast_in_dim3A_250 = arith.constant 0 : i32
      %broadcast_in_dim3A_251 = vector.broadcast %broadcast_in_dim3A_250 : i32 to vector<16xi32>
      %add3A_252 = arith.constant 128 : i32
      %add3A_253 = arith.addi %add3A_252, %scan3A_226 : i32
      %add3A_254 = vector.broadcast %add3A_253 : i32 to vector<16xi32>
      %add3A_255 = arith.addi %broadcast_in_dim3A_251, %add3A_254 : vector<16xi32>
      tpu.vector_store_idx %arg12[%add3A_255], %masked_cumsum3A masked %eq3A_4 : memref<512xf32, #tpu.memory_space<vmem>>[vector<16xi32>], vector<16xf32>, vector<16xi1>
    }
    %scan3A_133 = arith.constant 128 : i32
    %dma_start3A_134 = arith.constant 3 : i32
    %dma_start3A_135 = arith.constant 1 : i32
    %dma_start3A_136 = arith.constant 0 : i32
    %dma_start3A_137 = arith.constant 0 : i32
    %dma_start3A_138 = tpu.memref_slice %arg10[%dma_start3A_135, %dma_start3A_136, %dma_start3A_137] : memref<2x128x128xf32, #tpu.memory_space<vmem>> -> memref<1x128x128xf32, #tpu.memory_space<vmem>>
    %dma_start3A_139 = tpu.memref_squeeze %dma_start3A_138 : memref<1x128x128xf32, #tpu.memory_space<vmem>> -> memref<128x128xf32, #tpu.memory_space<vmem>>
    %dma_start3A_140 = arith.constant 0 : i32
    %dma_start3A_141 = tpu.memref_slice %arg7[%dma_start3A_134, %dma_start3A_140] : memref<4x128xi32, #tpu.memory_space<vmem>> -> memref<1x128xi32, #tpu.memory_space<vmem>>
    %dma_start3A_142 = tpu.memref_squeeze %dma_start3A_141 : memref<1x128xi32, #tpu.memory_space<vmem>> -> memref<128xi32, #tpu.memory_space<vmem>>
    %dma_start3A_143 = arith.constant 0 : i32
    %dma_start3A_144 = arith.constant 0 : i32
    %dma_start3A_145 = tpu.memref_slice %arg5[%dma_start3A_143, %dma_start3A_144] : memref<40960x128xf32, #tpu.memory_space<hbm>> -> memref<40960x128xf32, #tpu.memory_space<hbm>>
    tpu.enqueue_indirect_dma source(%dma_start3A_145 : memref<40960x128xf32, #tpu.memory_space<hbm>>) target(%dma_start3A_139 : memref<128x128xf32, #tpu.memory_space<vmem>>) offsets(%dma_start3A_142 : memref<128xi32, #tpu.memory_space<vmem>>) semaphore(%arg14 : memref<!tpu.dma_semaphore, #tpu.memory_space<semaphore_mem>>)
    %dma_start3A_146 = arith.constant 3 : i32
    %dma_start3A_147 = arith.constant 1 : i32
    %dma_start3A_148 = arith.constant 0 : i32
    %dma_start3A_149 = arith.constant 0 : i32
    %dma_start3A_150 = tpu.memref_slice %arg11[%dma_start3A_147, %dma_start3A_148, %dma_start3A_149] : memref<2x128x128xf32, #tpu.memory_space<vmem>> -> memref<1x128x128xf32, #tpu.memory_space<vmem>>
    %dma_start3A_151 = tpu.memref_squeeze %dma_start3A_150 : memref<1x128x128xf32, #tpu.memory_space<vmem>> -> memref<128x128xf32, #tpu.memory_space<vmem>>
    %dma_start3A_152 = arith.constant 0 : i32
    %dma_start3A_153 = tpu.memref_slice %arg8[%dma_start3A_146, %dma_start3A_152] : memref<4x128xi32, #tpu.memory_space<vmem>> -> memref<1x128xi32, #tpu.memory_space<vmem>>
    %dma_start3A_154 = tpu.memref_squeeze %dma_start3A_153 : memref<1x128xi32, #tpu.memory_space<vmem>> -> memref<128xi32, #tpu.memory_space<vmem>>
    %dma_start3A_155 = arith.constant 0 : i32
    %dma_start3A_156 = arith.constant 0 : i32
    %dma_start3A_157 = tpu.memref_slice %arg5[%dma_start3A_155, %dma_start3A_156] : memref<40960x128xf32, #tpu.memory_space<hbm>> -> memref<40960x128xf32, #tpu.memory_space<hbm>>
    tpu.enqueue_indirect_dma source(%dma_start3A_157 : memref<40960x128xf32, #tpu.memory_space<hbm>>) target(%dma_start3A_151 : memref<128x128xf32, #tpu.memory_space<vmem>>) offsets(%dma_start3A_154 : memref<128xi32, #tpu.memory_space<vmem>>) semaphore(%arg14 : memref<!tpu.dma_semaphore, #tpu.memory_space<semaphore_mem>>)
    %dma_wait3A_158 = arith.constant 2 : i32
    %dma_wait3A_159 = arith.constant 0 : i32
    %dma_wait3A_160 = arith.constant 0 : i32
    %dma_wait3A_161 = arith.constant 0 : i32
    %dma_wait3A_162 = tpu.memref_slice %arg10[%dma_wait3A_159, %dma_wait3A_160, %dma_wait3A_161] : memref<2x128x128xf32, #tpu.memory_space<vmem>> -> memref<1x128x128xf32, #tpu.memory_space<vmem>>
    %dma_wait3A_163 = tpu.memref_squeeze %dma_wait3A_162 : memref<1x128x128xf32, #tpu.memory_space<vmem>> -> memref<128x128xf32, #tpu.memory_space<vmem>>
    %dma_wait3A_164 = arith.constant 0 : i32
    %dma_wait3A_165 = tpu.memref_slice %arg7[%dma_wait3A_158, %dma_wait3A_164] : memref<4x128xi32, #tpu.memory_space<vmem>> -> memref<1x128xi32, #tpu.memory_space<vmem>>
    %dma_wait3A_166 = tpu.memref_squeeze %dma_wait3A_165 : memref<1x128xi32, #tpu.memory_space<vmem>> -> memref<128xi32, #tpu.memory_space<vmem>>
    %dma_wait3A_167 = arith.constant 0 : i32
    %dma_wait3A_168 = arith.constant 0 : i32
    %dma_wait3A_169 = tpu.memref_slice %arg5[%dma_wait3A_167, %dma_wait3A_168] : memref<40960x128xf32, #tpu.memory_space<hbm>> -> memref<40960x128xf32, #tpu.memory_space<hbm>>
    tpu.wait_indirect_dma semaphore(%arg14 : memref<!tpu.dma_semaphore, #tpu.memory_space<semaphore_mem>>) src(%dma_wait3A_169 : memref<40960x128xf32, #tpu.memory_space<hbm>>) dst(%dma_wait3A_163 : memref<128x128xf32, #tpu.memory_space<vmem>>)
    %dma_wait3A_170 = arith.constant 2 : i32
    %dma_wait3A_171 = arith.constant 0 : i32
    %dma_wait3A_172 = arith.constant 0 : i32
    %dma_wait3A_173 = arith.constant 0 : i32
    %dma_wait3A_174 = tpu.memref_slice %arg11[%dma_wait3A_171, %dma_wait3A_172, %dma_wait3A_173] : memref<2x128x128xf32, #tpu.memory_space<vmem>> -> memref<1x128x128xf32, #tpu.memory_space<vmem>>
    %dma_wait3A_175 = tpu.memref_squeeze %dma_wait3A_174 : memref<1x128x128xf32, #tpu.memory_space<vmem>> -> memref<128x128xf32, #tpu.memory_space<vmem>>
    %dma_wait3A_176 = arith.constant 0 : i32
    %dma_wait3A_177 = tpu.memref_slice %arg8[%dma_wait3A_170, %dma_wait3A_176] : memref<4x128xi32, #tpu.memory_space<vmem>> -> memref<1x128xi32, #tpu.memory_space<vmem>>
    %dma_wait3A_178 = tpu.memref_squeeze %dma_wait3A_177 : memref<1x128xi32, #tpu.memory_space<vmem>> -> memref<128xi32, #tpu.memory_space<vmem>>
    %dma_wait3A_179 = arith.constant 0 : i32
    %dma_wait3A_180 = arith.constant 0 : i32
    %dma_wait3A_181 = tpu.memref_slice %arg5[%dma_wait3A_179, %dma_wait3A_180] : memref<40960x128xf32, #tpu.memory_space<hbm>> -> memref<40960x128xf32, #tpu.memory_space<hbm>>
    tpu.wait_indirect_dma semaphore(%arg14 : memref<!tpu.dma_semaphore, #tpu.memory_space<semaphore_mem>>) src(%dma_wait3A_181 : memref<40960x128xf32, #tpu.memory_space<hbm>>) dst(%dma_wait3A_175 : memref<128x128xf32, #tpu.memory_space<vmem>>)
    %scan3A_182 = arith.constant 0 : i32
    %scan3A_183 = arith.constant 0 : i32
    %scan3A_184 = arith.constant 128 : i32
    %scan3A_185 = arith.addi %scan3A_183, %scan3A_184 : i32
    %scan3A_186 = arith.constant 1 : i32
    scf.for %scan3A_226 = %scan3A_183 to %scan3A_185 step %scan3A_186  : i32 {
      %get3A = arith.constant 0 : i32
      %get3A_227 = arith.index_cast %get3A : i32 to index
      %get3A_228 = arith.index_cast %scan3A_226 : i32 to index
      %get3A_229 = arith.constant 0 : index
      %get3A_230 = tpu.vector_load %arg10[%get3A_227, %get3A_228, %get3A_229] {strides = array<i32>} : memref<2x128x128xf32, #tpu.memory_space<vmem>>, vector<16xf32>,
      %get3A_231 = arith.constant 0 : i32
      %get3A_232 = arith.index_cast %get3A_231 : i32 to index
      %get3A_233 = arith.index_cast %scan3A_226 : i32 to index
      %get3A_234 = arith.constant 16 : index
      %get3A_235 = tpu.vector_load %arg10[%get3A_232, %get3A_233, %get3A_234] {strides = array<i32>} : memref<2x128x128xf32, #tpu.memory_space<vmem>>, vector<16xf32>,
      %get3A_236 = arith.constant 0 : i32
      %get3A_237 = arith.index_cast %get3A_236 : i32 to index
      %get3A_238 = arith.index_cast %scan3A_226 : i32 to index
      %get3A_239 = arith.constant 0 : index
      %get3A_240 = tpu.vector_load %arg11[%get3A_237, %get3A_238, %get3A_239] {strides = array<i32>} : memref<2x128x128xf32, #tpu.memory_space<vmem>>, vector<16xf32>,
      %get3A_241 = arith.constant 0 : i32
      %get3A_242 = arith.index_cast %get3A_241 : i32 to index
      %get3A_243 = arith.index_cast %scan3A_226 : i32 to index
      %get3A_244 = arith.constant 16 : index
      %get3A_245 = tpu.vector_load %arg11[%get3A_242, %get3A_243, %get3A_244] {strides = array<i32>} : memref<2x128x128xf32, #tpu.memory_space<vmem>>, vector<16xf32>,
      %mul3A_246 = arith.mulf %get3A_230, %get3A_240 : vector<16xf32>
      %mul3A_247 = arith.mulf %get3A_235, %get3A_245 : vector<16xf32>
      %add3A_248 = arith.addf %mul3A_246, %mul3A_247 : vector<16xf32>
      %broadcast_in_dim3A = arith.constant true
      %broadcast_in_dim3A_249 = vector.broadcast %broadcast_in_dim3A : i1 to vector<16xi1>
      %masked_cumsum3A = tpu.scan <sum>, %add3A_248 masked %broadcast_in_dim3A_249 : vector<16xf32>, vector<16xi1> -> vector<16xf32>
      %broadcast_in_dim3A_250 = arith.constant 0 : i32
      %broadcast_in_dim3A_251 = vector.broadcast %broadcast_in_dim3A_250 : i32 to vector<16xi32>
      %add3A_252 = arith.constant 256 : i32
      %add3A_253 = arith.addi %add3A_252, %scan3A_226 : i32
      %add3A_254 = vector.broadcast %add3A_253 : i32 to vector<16xi32>
      %add3A_255 = arith.addi %broadcast_in_dim3A_251, %add3A_254 : vector<16xi32>
      tpu.vector_store_idx %arg12[%add3A_255], %masked_cumsum3A masked %eq3A_4 : memref<512xf32, #tpu.memory_space<vmem>>[vector<16xi32>], vector<16xf32>, vector<16xi1>
    }
    %scan3A_187 = arith.constant 128 : i32
    %dma_wait3A_188 = arith.constant 3 : i32
    %dma_wait3A_189 = arith.constant 1 : i32
    %dma_wait3A_190 = arith.constant 0 : i32
    %dma_wait3A_191 = arith.constant 0 : i32
    %dma_wait3A_192 = tpu.memref_slice %arg10[%dma_wait3A_189, %dma_wait3A_190, %dma_wait3A_191] : memref<2x128x128xf32, #tpu.memory_space<vmem>> -> memref<1x128x128xf32, #tpu.memory_space<vmem>>
    %dma_wait3A_193 = tpu.memref_squeeze %dma_wait3A_192 : memref<1x128x128xf32, #tpu.memory_space<vmem>> -> memref<128x128xf32, #tpu.memory_space<vmem>>
    %dma_wait3A_194 = arith.constant 0 : i32
    %dma_wait3A_195 = tpu.memref_slice %arg7[%dma_wait3A_188, %dma_wait3A_194] : memref<4x128xi32, #tpu.memory_space<vmem>> -> memref<1x128xi32, #tpu.memory_space<vmem>>
    %dma_wait3A_196 = tpu.memref_squeeze %dma_wait3A_195 : memref<1x128xi32, #tpu.memory_space<vmem>> -> memref<128xi32, #tpu.memory_space<vmem>>
    %dma_wait3A_197 = arith.constant 0 : i32
    %dma_wait3A_198 = arith.constant 0 : i32
    %dma_wait3A_199 = tpu.memref_slice %arg5[%dma_wait3A_197, %dma_wait3A_198] : memref<40960x128xf32, #tpu.memory_space<hbm>> -> memref<40960x128xf32, #tpu.memory_space<hbm>>
    tpu.wait_indirect_dma semaphore(%arg14 : memref<!tpu.dma_semaphore, #tpu.memory_space<semaphore_mem>>) src(%dma_wait3A_199 : memref<40960x128xf32, #tpu.memory_space<hbm>>) dst(%dma_wait3A_193 : memref<128x128xf32, #tpu.memory_space<vmem>>)
    %dma_wait3A_200 = arith.constant 3 : i32
    %dma_wait3A_201 = arith.constant 1 : i32
    %dma_wait3A_202 = arith.constant 0 : i32
    %dma_wait3A_203 = arith.constant 0 : i32
    %dma_wait3A_204 = tpu.memref_slice %arg11[%dma_wait3A_201, %dma_wait3A_202, %dma_wait3A_203] : memref<2x128x128xf32, #tpu.memory_space<vmem>> -> memref<1x128x128xf32, #tpu.memory_space<vmem>>
    %dma_wait3A_205 = tpu.memref_squeeze %dma_wait3A_204 : memref<1x128x128xf32, #tpu.memory_space<vmem>> -> memref<128x128xf32, #tpu.memory_space<vmem>>
    %dma_wait3A_206 = arith.constant 0 : i32
    %dma_wait3A_207 = tpu.memref_slice %arg8[%dma_wait3A_200, %dma_wait3A_206] : memref<4x128xi32, #tpu.memory_space<vmem>> -> memref<1x128xi32, #tpu.memory_space<vmem>>
    %dma_wait3A_208 = tpu.memref_squeeze %dma_wait3A_207 : memref<1x128xi32, #tpu.memory_space<vmem>> -> memref<128xi32, #tpu.memory_space<vmem>>
    %dma_wait3A_209 = arith.constant 0 : i32
    %dma_wait3A_210 = arith.constant 0 : i32
    %dma_wait3A_211 = tpu.memref_slice %arg5[%dma_wait3A_209, %dma_wait3A_210] : memref<40960x128xf32, #tpu.memory_space<hbm>> -> memref<40960x128xf32, #tpu.memory_space<hbm>>
    tpu.wait_indirect_dma semaphore(%arg14 : memref<!tpu.dma_semaphore, #tpu.memory_space<semaphore_mem>>) src(%dma_wait3A_211 : memref<40960x128xf32, #tpu.memory_space<hbm>>) dst(%dma_wait3A_205 : memref<128x128xf32, #tpu.memory_space<vmem>>)
    %scan3A_212 = arith.constant 0 : i32
    %scan3A_213 = arith.constant 0 : i32
    %scan3A_214 = arith.constant 128 : i32
    %scan3A_215 = arith.addi %scan3A_213, %scan3A_214 : i32
    %scan3A_216 = arith.constant 1 : i32
    scf.for %scan3A_226 = %scan3A_213 to %scan3A_215 step %scan3A_216  : i32 {
      %get3A = arith.constant 1 : i32
      %get3A_227 = arith.index_cast %get3A : i32 to index
      %get3A_228 = arith.index_cast %scan3A_226 : i32 to index
      %get3A_229 = arith.constant 0 : index
      %get3A_230 = tpu.vector_load %arg10[%get3A_227, %get3A_228, %get3A_229] {strides = array<i32>} : memref<2x128x128xf32, #tpu.memory_space<vmem>>, vector<16xf32>,
      %get3A_231 = arith.constant 1 : i32
      %get3A_232 = arith.index_cast %get3A_231 : i32 to index
      %get3A_233 = arith.index_cast %scan3A_226 : i32 to index
      %get3A_234 = arith.constant 16 : index
      %get3A_235 = tpu.vector_load %arg10[%get3A_232, %get3A_233, %get3A_234] {strides = array<i32>} : memref<2x128x128xf32, #tpu.memory_space<vmem>>, vector<16xf32>,
      %get3A_236 = arith.constant 1 : i32
      %get3A_237 = arith.index_cast %get3A_236 : i32 to index
      %get3A_238 = arith.index_cast %scan3A_226 : i32 to index
      %get3A_239 = arith.constant 0 : index
      %get3A_240 = tpu.vector_load %arg11[%get3A_237, %get3A_238, %get3A_239] {strides = array<i32>} : memref<2x128x128xf32, #tpu.memory_space<vmem>>, vector<16xf32>,
      %get3A_241 = arith.constant 1 : i32
      %get3A_242 = arith.index_cast %get3A_241 : i32 to index
      %get3A_243 = arith.index_cast %scan3A_226 : i32 to index
      %get3A_244 = arith.constant 16 : index
      %get3A_245 = tpu.vector_load %arg11[%get3A_242, %get3A_243, %get3A_244] {strides = array<i32>} : memref<2x128x128xf32, #tpu.memory_space<vmem>>, vector<16xf32>,
      %mul3A_246 = arith.mulf %get3A_230, %get3A_240 : vector<16xf32>
      %mul3A_247 = arith.mulf %get3A_235, %get3A_245 : vector<16xf32>
      %add3A_248 = arith.addf %mul3A_246, %mul3A_247 : vector<16xf32>
      %broadcast_in_dim3A = arith.constant true
      %broadcast_in_dim3A_249 = vector.broadcast %broadcast_in_dim3A : i1 to vector<16xi1>
      %masked_cumsum3A = tpu.scan <sum>, %add3A_248 masked %broadcast_in_dim3A_249 : vector<16xf32>, vector<16xi1> -> vector<16xf32>
      %broadcast_in_dim3A_250 = arith.constant 0 : i32
      %broadcast_in_dim3A_251 = vector.broadcast %broadcast_in_dim3A_250 : i32 to vector<16xi32>
      %add3A_252 = arith.constant 384 : i32
      %add3A_253 = arith.addi %add3A_252, %scan3A_226 : i32
      %add3A_254 = vector.broadcast %add3A_253 : i32 to vector<16xi32>
      %add3A_255 = arith.addi %broadcast_in_dim3A_251, %add3A_254 : vector<16xi32>
      tpu.vector_store_idx %arg12[%add3A_255], %masked_cumsum3A masked %eq3A_4 : memref<512xf32, #tpu.memory_space<vmem>>[vector<16xi32>], vector<16xf32>, vector<16xi1>
    }
    %scan3A_217 = arith.constant 128 : i32
    %scan3A_218 = arith.constant 0 : i32
    %scan3A_219 = arith.constant 0 : i32
    %scan3A_220 = arith.constant 32 : i32
    %scan3A_221 = arith.addi %scan3A_219, %scan3A_220 : i32
    %scan3A_222 = arith.constant 1 : i32
    scf.for %scan3A_226 = %scan3A_219 to %scan3A_221 step %scan3A_222  : i32 {
      %jit3A = arith.constant 8 : i32
      %div3A = arith.divsi %scan3A_226, %jit3A : i32
      %sign3A = arith.constant 0 : i32
      %sign3A_227 = arith.cmpi sgt, %scan3A_226, %sign3A : i32
      %sign3A_228 = arith.extui %sign3A_227 : i1 to i32
      %sign3A_229 = arith.constant 0 : i32
      %sign3A_230 = arith.cmpi slt, %scan3A_226, %sign3A_229 : i32
      %sign3A_231 = arith.extui %sign3A_230 : i1 to i32
      %sign3A_232 = arith.subi %sign3A_228, %sign3A_231 : i32
      %sign3A_233 = arith.constant 0 : i32
      %sign3A_234 = arith.cmpi sgt, %jit3A, %sign3A_233 : i32
      %sign3A_235 = arith.extui %sign3A_234 : i1 to i32
      %sign3A_236 = arith.constant 0 : i32
      %sign3A_237 = arith.cmpi slt, %jit3A, %sign3A_236 : i32
      %sign3A_238 = arith.extui %sign3A_237 : i1 to i32
      %sign3A_239 = arith.subi %sign3A_235, %sign3A_238 : i32
      %ne3A = arith.cmpi ne, %sign3A_232, %sign3A_239 : i32
      %rem3A = arith.remsi %scan3A_226, %jit3A : i32
      %ne3A_240 = arith.constant 0 : i32
      %ne3A_241 = arith.cmpi ne, %rem3A, %ne3A_240 : i32
      %and3A = arith.andi %ne3A, %ne3A_241 : i1
      %sub3A = arith.constant 1 : i32
      %sub3A_242 = arith.subi %div3A, %sub3A : i32
      %select_n3A = arith.select %and3A, %sub3A_242, %div3A : i32
      %jit3A_243 = arith.constant 8 : i32
      %eq3A_244 = arith.constant 0 : i32
      %eq3A_245 = arith.cmpi eq, %jit3A_243, %eq3A_244 : i32
      %jit3A_246 = arith.constant 1 : i32
      %select_n3A_247 = arith.select %eq3A_245, %jit3A_246, %jit3A_243 : i32
      %rem3A_248 = arith.remsi %scan3A_226, %select_n3A_247 : i32
      %ne3A_249 = arith.constant 0 : i32
      %ne3A_250 = arith.cmpi ne, %rem3A_248, %ne3A_249 : i32
      %lt3A = arith.constant 0 : i32
      %lt3A_251 = arith.cmpi slt, %rem3A_248, %lt3A : i32
      %lt3A_252 = arith.constant 0 : i32
      %lt3A_253 = arith.cmpi slt, %select_n3A_247, %lt3A_252 : i32
      %ne3A_254 = arith.xori %lt3A_251, %lt3A_253 : i1
      %and3A_255 = arith.andi %ne3A_254, %ne3A_250 : i1
      %add3A_256 = arith.addi %rem3A_248, %select_n3A_247 : i32
      %select_n3A_257 = arith.select %and3A_255, %add3A_256, %rem3A_248 : i32
      %mul3A_258 = arith.constant 16 : i32
      %mul3A_259 = arith.muli %select_n3A_257, %mul3A_258 : i32
      %get3A = arith.index_cast %select_n3A : i32 to index
      %get3A_260 = arith.index_cast %mul3A_259 : i32 to index
      %get3A_261 = tpu.vector_load %arg9[%get3A, %get3A_260] {strides = array<i32>} : memref<4x128xf32, #tpu.memory_space<vmem>>, vector<16xf32>,
      %mul3A_262 = arith.constant 16 : i32
      %mul3A_263 = arith.muli %scan3A_226, %mul3A_262 : i32
      %get3A_264 = arith.index_cast %mul3A_263 : i32 to index
      %get3A_265 = tpu.vector_load %arg12[%get3A_264] {strides = array<i32>} : memref<512xf32, #tpu.memory_space<vmem>>, vector<16xf32>,
      %mul3A_266 = arith.mulf %get3A_261, %get3A_265 : vector<16xf32>
      %neg3A = arith.constant 0.000000e+00 : f32
      %neg3A_267 = vector.broadcast %neg3A : f32 to vector<16xf32>
      %neg3A_268 = arith.subf %neg3A_267, %mul3A_266 : vector<16xf32>
      %exp3A = math.exp %neg3A_268 : vector<16xf32>
      %add3A_269 = arith.constant 1.000000e+00 : f32
      %add3A_270 = vector.broadcast %add3A_269 : f32 to vector<16xf32>
      %add3A_271 = arith.addf %add3A_270, %exp3A : vector<16xf32>
      %div3A_272 = arith.constant 1.000000e+00 : f32
      %div3A_273 = vector.broadcast %div3A_272 : f32 to vector<16xf32>
      %div3A_274 = arith.divf %div3A_273, %add3A_271 : vector<16xf32>
      %neg3A_275 = arith.constant 0.000000e+00 : f32
      %neg3A_276 = vector.broadcast %neg3A_275 : f32 to vector<16xf32>
      %neg3A_277 = arith.subf %neg3A_276, %div3A_274 : vector<16xf32>
      %mul3A_278 = arith.constant 16 : i32
      %mul3A_279 = arith.muli %scan3A_226, %mul3A_278 : i32
      %swap3A = arith.index_cast %mul3A_279 : i32 to index
      %swap3A_280 = tpu.vector_load %arg13[%swap3A] {strides = array<i32>} : memref<512xf32, #tpu.memory_space<vmem>>, vector<16xf32>,
      tpu.vector_store %arg13[%swap3A], %neg3A_277 {strides = array<i32>} : memref<512xf32, #tpu.memory_space<vmem>>, vector<16xf32>,
    }
    %scan3A_223 = arith.constant 32 : i32
    %mul3A_224 = arith.constant 512 : i32
    %mul3A_225 = arith.muli %add3A, %mul3A_224 : i32
    "tpu.region"() ({
      %run_scoped3A = tpu.sem_alloc : memref<!tpu.dma_semaphore, #tpu.memory_space<semaphore_mem>>
      %dma_start3A_226 = tpu.memref_slice %arg6[%mul3A_225] : memref<16384xf32, #tpu.memory_space<hbm>> -> memref<512xf32, #tpu.memory_space<hbm>>
      %dma_start3A_227 = tpu.memref_slice %arg6[%mul3A_225] : memref<16384xf32, #tpu.memory_space<hbm>> -> memref<512xf32, #tpu.memory_space<hbm>>
      tpu.enqueue_dma source(%arg13 : memref<512xf32, #tpu.memory_space<vmem>>) target(%dma_start3A_227 : memref<512xf32, #tpu.memory_space<hbm>>) target_semaphore(%run_scoped3A : memref<!tpu.dma_semaphore, #tpu.memory_space<semaphore_mem>>)
      %dma_wait3A_228 = tpu.memref_slice %arg6[%mul3A_225] : memref<16384xf32, #tpu.memory_space<hbm>> -> memref<512xf32, #tpu.memory_space<hbm>>
      %dma_wait3A_229 = tpu.memref_slice %arg6[%mul3A_225] : memref<16384xf32, #tpu.memory_space<hbm>> -> memref<512xf32, #tpu.memory_space<hbm>>
      tpu.wait_dma2 semaphore(%run_scoped3A : memref<!tpu.dma_semaphore, #tpu.memory_space<semaphore_mem>>) src(%arg13 : memref<512xf32, #tpu.memory_space<vmem>>) dst(%dma_wait3A_229 : memref<512xf32, #tpu.memory_space<hbm>>)
      tpu.yield
    }) : () -> ()
    return
  }
}

#map = affine_map<(d0, d1) -> (0)>
#map1 = affine_map<(d0, d1) -> (0, 0)>
module attributes {stable_mosaic.version = 14 : i64} {
  func.func @_extract_body(%arg0: i32, %arg1: i32, %arg2: memref<34080xi32, #tpu.memory_space<hbm>>, %arg3: memref<48xi32, #tpu.memory_space<hbm>>, %arg4: memref<32x1000000xf32, #tpu.memory_space<hbm>>, %arg5: memref<32x1024xf32, #tpu.memory_space<hbm>>, %arg6: memref<40960x128xf32, #tpu.memory_space<hbm>>, %arg7: memref<1312xi32, #tpu.memory_space<vmem>>, %arg8: memref<48xi32, #tpu.memory_space<vmem>>, %arg9: memref<2x32x1024xf32, #tpu.memory_space<vmem>>, %arg10: memref<256x128xf32, #tpu.memory_space<vmem>>, %arg11: memref<!tpu.dma_semaphore, #tpu.memory_space<semaphore_mem>>, %arg12: memref<!tpu.dma_semaphore, #tpu.memory_space<semaphore_mem>>) attributes {dimension_semantics = [#tpu.dimension_semantics<core_parallel>, #tpu.dimension_semantics<subcore_parallel>], iteration_bounds = array<i64: 2, 16>, scalar_prefetch = 0 : i64, scratch_operands = 6 : i64, tpu.core_type = #tpu.core_type<sc_vector_subcore>, window_params = [{transform_indices = #map}, {transform_indices = #map}, {transform_indices = #map1}, {transform_indices = #map1}, {transform_indices = #map1}]} {
    %mul3A = arith.constant 2 : i32
    %mul3A_0 = arith.muli %arg1, %mul3A : i32
    %add3A = arith.addi %mul3A_0, %arg0 : i32
    "tpu.region"() ({
      %run_scoped3A = tpu.sem_alloc : memref<!tpu.dma_semaphore, #tpu.memory_space<semaphore_mem>>
      tpu.enqueue_dma source(%arg3 : memref<48xi32, #tpu.memory_space<hbm>>) target(%arg8 : memref<48xi32, #tpu.memory_space<vmem>>) target_semaphore(%run_scoped3A : memref<!tpu.dma_semaphore, #tpu.memory_space<semaphore_mem>>)
      tpu.wait_dma2 semaphore(%run_scoped3A : memref<!tpu.dma_semaphore, #tpu.memory_space<semaphore_mem>>) src(%arg3 : memref<48xi32, #tpu.memory_space<hbm>>) dst(%arg8 : memref<48xi32, #tpu.memory_space<vmem>>)
      tpu.yield
    }) : () -> ()
    %get3A = arith.index_cast %add3A : i32 to index
    %get3A_1 = tpu.vector_load %arg8[%get3A] {strides = array<i32>} : memref<48xi32, #tpu.memory_space<vmem>>, vector<16xi32>,
    %slice3A = vector.extract_strided_slice %get3A_1 {offsets = [0], sizes = [1], strides = [1]} : vector<16xi32> to vector<1xi32>
    %squeeze3A = vector.extract %slice3A[0] : i32 from vector<1xi32>
    %slice3A_2 = vector.extract_strided_slice %get3A_1 {offsets = [1], sizes = [1], strides = [1]} : vector<16xi32> to vector<1xi32>
    %squeeze3A_3 = vector.extract %slice3A_2[0] : i32 from vector<1xi32>
    %sub3A = arith.subi %squeeze3A_3, %squeeze3A : i32
    %min3A = arith.constant 1280 : i32
    %min3A_4 = arith.minsi %sub3A, %min3A : i32
    %and3A = arith.constant 7 : i32
    %and3A_5 = arith.andi %squeeze3A, %and3A : i32
    %sub3A_6 = arith.subi %squeeze3A, %and3A_5 : i32
    %multiple_of3A = tpu.assume_multiple %sub3A_6, 8 : i32
    "tpu.region"() ({
      %run_scoped3A = tpu.sem_alloc : memref<!tpu.dma_semaphore, #tpu.memory_space<semaphore_mem>>
      %dma_start3A_65 = tpu.memref_slice %arg2[%multiple_of3A] : memref<34080xi32, #tpu.memory_space<hbm>> -> memref<1312xi32, #tpu.memory_space<hbm>>
      %dma_start3A_66 = tpu.memref_slice %arg2[%multiple_of3A] : memref<34080xi32, #tpu.memory_space<hbm>> -> memref<1312xi32, #tpu.memory_space<hbm>>
      tpu.enqueue_dma source(%dma_start3A_66 : memref<1312xi32, #tpu.memory_space<hbm>>) target(%arg7 : memref<1312xi32, #tpu.memory_space<vmem>>) target_semaphore(%run_scoped3A : memref<!tpu.dma_semaphore, #tpu.memory_space<semaphore_mem>>)
      %dma_wait3A = tpu.memref_slice %arg2[%multiple_of3A] : memref<34080xi32, #tpu.memory_space<hbm>> -> memref<1312xi32, #tpu.memory_space<hbm>>
      %dma_wait3A_67 = tpu.memref_slice %arg2[%multiple_of3A] : memref<34080xi32, #tpu.memory_space<hbm>> -> memref<1312xi32, #tpu.memory_space<hbm>>
      tpu.wait_dma2 semaphore(%run_scoped3A : memref<!tpu.dma_semaphore, #tpu.memory_space<semaphore_mem>>) src(%dma_wait3A_67 : memref<1312xi32, #tpu.memory_space<hbm>>) dst(%arg7 : memref<1312xi32, #tpu.memory_space<vmem>>)
      tpu.yield
    }) : () -> ()
    %lt3A = arith.constant 16 : i32
    %lt3A_7 = arith.cmpi slt, %add3A, %lt3A : i32
    %mul3A_8 = arith.constant 31 : i32
    %mul3A_9 = arith.muli %mul3A_8, %add3A : i32
    %sub3A_10 = arith.constant 16 : i32
    %sub3A_11 = arith.subi %add3A, %sub3A_10 : i32
    %mul3A_12 = arith.constant 30 : i32
    %mul3A_13 = arith.muli %mul3A_12, %sub3A_11 : i32
    %add3A_14 = arith.constant 496 : i32
    %add3A_15 = arith.addi %add3A_14, %mul3A_13 : i32
    %select_n3A = arith.select %lt3A_7, %mul3A_9, %add3A_15 : i32
    %lt3A_16 = arith.constant 16 : i32
    %lt3A_17 = arith.cmpi slt, %add3A, %lt3A_16 : i32
    %jit3A = arith.constant 31 : i32
    %jit3A_18 = arith.constant 30 : i32
    %select_n3A_19 = arith.select %lt3A_17, %jit3A, %jit3A_18 : i32
    %eq3A = arith.constant 31 : i32
    %eq3A_20 = arith.cmpi eq, %add3A, %eq3A : i32
    %iota3A = tpu.iota {dimensions = array<i32: 0>} : vector<16xi32>
    %add3A_21 = arith.constant 0 : i32
    %add3A_22 = arith.addi %select_n3A, %add3A_21 : i32
    %mul3A_23 = arith.constant 1024 : i32
    %mul3A_24 = arith.muli %add3A_22, %mul3A_23 : i32
    %dma_start3A = arith.constant 0 : i32
    %dma_start3A_25 = arith.constant 0 : i32
    %dma_start3A_26 = arith.constant 0 : i32
    %dma_start3A_27 = tpu.memref_slice %arg9[%dma_start3A, %dma_start3A_25, %dma_start3A_26] : memref<2x32x1024xf32, #tpu.memory_space<vmem>> -> memref<1x32x1024xf32, #tpu.memory_space<vmem>>
    %dma_start3A_28 = tpu.memref_squeeze %dma_start3A_27 : memref<1x32x1024xf32, #tpu.memory_space<vmem>> -> memref<32x1024xf32, #tpu.memory_space<vmem>>
    %dma_start3A_29 = arith.constant 0 : i32
    %dma_start3A_30 = tpu.memref_slice %arg4[%dma_start3A_29, %mul3A_24] : memref<32x1000000xf32, #tpu.memory_space<hbm>> -> memref<32x1024xf32, #tpu.memory_space<hbm>>
    %dma_start3A_31 = arith.constant 0 : i32
    %dma_start3A_32 = arith.constant 0 : i32
    %dma_start3A_33 = tpu.memref_slice %arg9[%dma_start3A, %dma_start3A_31, %dma_start3A_32] : memref<2x32x1024xf32, #tpu.memory_space<vmem>> -> memref<1x32x1024xf32, #tpu.memory_space<vmem>>
    %dma_start3A_34 = tpu.memref_squeeze %dma_start3A_33 : memref<1x32x1024xf32, #tpu.memory_space<vmem>> -> memref<32x1024xf32, #tpu.memory_space<vmem>>
    %dma_start3A_35 = arith.constant 0 : i32
    %dma_start3A_36 = tpu.memref_slice %arg4[%dma_start3A_35, %mul3A_24] : memref<32x1000000xf32, #tpu.memory_space<hbm>> -> memref<32x1024xf32, #tpu.memory_space<hbm>>
    tpu.enqueue_dma source(%dma_start3A_36 : memref<32x1024xf32, #tpu.memory_space<hbm>>) target(%dma_start3A_34 : memref<32x1024xf32, #tpu.memory_space<vmem>>) target_semaphore(%arg11 : memref<!tpu.dma_semaphore, #tpu.memory_space<semaphore_mem>>)
    %while3A = arith.constant 0 : i32
    %while3A_37 = arith.constant 0 : i32
    %while3A_38 = arith.constant 0 : i32
    %while3A_39 = arith.subi %select_n3A_19, %while3A : i32
    %while3A_40 = arith.addi %while3A, %while3A_39 : i32
    %while3A_41 = arith.constant 1 : i32
    %while3A_42 = arith.divsi %while3A_39, %while3A_41 : i32
    %while3A_43 = arith.muli %while3A_42, %while3A_41 : i32
    %while3A_44 = arith.addi %while3A, %while3A_43 : i32
    %while3A_45 = arith.constant 1 : i32
    %while3A_46:2 = scf.for %while3A_65 = %while3A to %while3A_44 step %while3A_45 iter_args(%while3A_66 = %while3A_37, %while3A_67 = %while3A_38) -> (i32, i32)  : i32 {
      %add3A_68 = arith.constant 1 : i32
      %add3A_69 = arith.addi %while3A_65, %add3A_68 : i32
      %lt3A_70 = arith.cmpi slt, %add3A_69, %select_n3A_19 : i32
      %convert_element_type3A_71 = arith.extui %lt3A_70 : i1 to i32
      %cond3A_72 = arith.constant 0 : i32
      %cond3A_73 = arith.cmpi ne, %convert_element_type3A_71, %cond3A_72 : i32
      scf.if %cond3A_73 {
        %add3A_112 = arith.constant 1 : i32
        %add3A_113 = arith.addi %while3A_65, %add3A_112 : i32
        %add3A_114 = arith.addi %select_n3A, %add3A_113 : i32
        %mul3A_115 = arith.constant 1024 : i32
        %mul3A_116 = arith.muli %add3A_114, %mul3A_115 : i32
        %and3A_117 = arith.constant 1 : i32
        %and3A_118 = arith.andi %add3A_113, %and3A_117 : i32
        %dma_start3A_119 = arith.constant 0 : i32
        %dma_start3A_120 = arith.constant 0 : i32
        %dma_start3A_121 = tpu.memref_slice %arg9[%and3A_118, %dma_start3A_119, %dma_start3A_120] : memref<2x32x1024xf32, #tpu.memory_space<vmem>> -> memref<1x32x1024xf32, #tpu.memory_space<vmem>>
        %dma_start3A_122 = tpu.memref_squeeze %dma_start3A_121 : memref<1x32x1024xf32, #tpu.memory_space<vmem>> -> memref<32x1024xf32, #tpu.memory_space<vmem>>
        %dma_start3A_123 = arith.constant 0 : i32
        %dma_start3A_124 = tpu.memref_slice %arg4[%dma_start3A_123, %mul3A_116] : memref<32x1000000xf32, #tpu.memory_space<hbm>> -> memref<32x1024xf32, #tpu.memory_space<hbm>>
        %dma_start3A_125 = arith.constant 0 : i32
        %dma_start3A_126 = arith.constant 0 : i32
        %dma_start3A_127 = tpu.memref_slice %arg9[%and3A_118, %dma_start3A_125, %dma_start3A_126] : memref<2x32x1024xf32, #tpu.memory_space<vmem>> -> memref<1x32x1024xf32, #tpu.memory_space<vmem>>
        %dma_start3A_128 = tpu.memref_squeeze %dma_start3A_127 : memref<1x32x1024xf32, #tpu.memory_space<vmem>> -> memref<32x1024xf32, #tpu.memory_space<vmem>>
        %dma_start3A_129 = arith.constant 0 : i32
        %dma_start3A_130 = tpu.memref_slice %arg4[%dma_start3A_129, %mul3A_116] : memref<32x1000000xf32, #tpu.memory_space<hbm>> -> memref<32x1024xf32, #tpu.memory_space<hbm>>
        tpu.enqueue_dma source(%dma_start3A_130 : memref<32x1024xf32, #tpu.memory_space<hbm>>) target(%dma_start3A_128 : memref<32x1024xf32, #tpu.memory_space<vmem>>) target_semaphore(%arg11 : memref<!tpu.dma_semaphore, #tpu.memory_space<semaphore_mem>>)
      } else {
      }
      %add3A_74 = arith.addi %select_n3A, %while3A_65 : i32
      %mul3A_75 = arith.constant 1024 : i32
      %mul3A_76 = arith.muli %add3A_74, %mul3A_75 : i32
      %and3A_77 = arith.constant 1 : i32
      %and3A_78 = arith.andi %while3A_65, %and3A_77 : i32
      %dma_wait3A = arith.constant 0 : i32
      %dma_wait3A_79 = arith.constant 0 : i32
      %dma_wait3A_80 = tpu.memref_slice %arg9[%and3A_78, %dma_wait3A, %dma_wait3A_79] : memref<2x32x1024xf32, #tpu.memory_space<vmem>> -> memref<1x32x1024xf32, #tpu.memory_space<vmem>>
      %dma_wait3A_81 = tpu.memref_squeeze %dma_wait3A_80 : memref<1x32x1024xf32, #tpu.memory_space<vmem>> -> memref<32x1024xf32, #tpu.memory_space<vmem>>
      %dma_wait3A_82 = arith.constant 0 : i32
      %dma_wait3A_83 = tpu.memref_slice %arg4[%dma_wait3A_82, %mul3A_76] : memref<32x1000000xf32, #tpu.memory_space<hbm>> -> memref<32x1024xf32, #tpu.memory_space<hbm>>
      %dma_wait3A_84 = arith.constant 0 : i32
      %dma_wait3A_85 = arith.constant 0 : i32
      %dma_wait3A_86 = tpu.memref_slice %arg9[%and3A_78, %dma_wait3A_84, %dma_wait3A_85] : memref<2x32x1024xf32, #tpu.memory_space<vmem>> -> memref<1x32x1024xf32, #tpu.memory_space<vmem>>
      %dma_wait3A_87 = tpu.memref_squeeze %dma_wait3A_86 : memref<1x32x1024xf32, #tpu.memory_space<vmem>> -> memref<32x1024xf32, #tpu.memory_space<vmem>>
      %dma_wait3A_88 = arith.constant 0 : i32
      %dma_wait3A_89 = tpu.memref_slice %arg4[%dma_wait3A_88, %mul3A_76] : memref<32x1000000xf32, #tpu.memory_space<hbm>> -> memref<32x1024xf32, #tpu.memory_space<hbm>>
      tpu.wait_dma2 semaphore(%arg11 : memref<!tpu.dma_semaphore, #tpu.memory_space<semaphore_mem>>) src(%dma_wait3A_89 : memref<32x1024xf32, #tpu.memory_space<hbm>>) dst(%dma_wait3A_87 : memref<32x1024xf32, #tpu.memory_space<vmem>>)
      %mul3A_90 = arith.constant 1024 : i32
      %mul3A_91 = arith.muli %add3A_74, %mul3A_90 : i32
      %add3A_92 = arith.constant 1 : i32
      %add3A_93 = arith.addi %add3A_74, %add3A_92 : i32
      %mul3A_94 = arith.constant 1024 : i32
      %mul3A_95 = arith.muli %add3A_93, %mul3A_94 : i32
      %and3A_96 = arith.constant 1 : i32
      %and3A_97 = arith.andi %while3A_65, %and3A_96 : i32
      %while3A_98 = scf.while (%while3A_112 = %while3A_66) : (i32) -> i32 {
        %add3A_113 = arith.addi %and3A_5, %while3A_112 : i32
        %get3A_114 = arith.index_cast %add3A_113 : i32 to index
        %get3A_115 = tpu.vector_load %arg7[%get3A_114] {strides = array<i32>} : memref<1312xi32, #tpu.memory_space<vmem>>, vector<16xi32>,
        %slice3A_116 = vector.extract_strided_slice %get3A_115 {offsets = [0], sizes = [1], strides = [1]} : vector<16xi32> to vector<1xi32>
        %squeeze3A_117 = vector.extract %slice3A_116[0] : i32 from vector<1xi32>
        %lt3A_118 = arith.cmpi slt, %while3A_112, %min3A_4 : i32
        %lt3A_119 = arith.cmpi slt, %squeeze3A_117, %mul3A_95 : i32
        %and3A_120 = arith.andi %lt3A_118, %lt3A_119 : i1
        scf.condition(%and3A_120) %while3A_112 : i32
      } do {
      ^bb0(%while3A_112: i32):
        %add3A_113 = arith.addi %and3A_5, %while3A_112 : i32
        %get3A_114 = arith.index_cast %add3A_113 : i32 to index
        %get3A_115 = tpu.vector_load %arg7[%get3A_114] {strides = array<i32>} : memref<1312xi32, #tpu.memory_space<vmem>>, vector<16xi32>,
        %slice3A_116 = vector.extract_strided_slice %get3A_115 {offsets = [0], sizes = [1], strides = [1]} : vector<16xi32> to vector<1xi32>
        %squeeze3A_117 = vector.extract %slice3A_116[0] : i32 from vector<1xi32>
        %sub3A_118 = arith.subi %squeeze3A_117, %mul3A_91 : i32
        %broadcast_in_dim3A = arith.constant 0 : i32
        %broadcast_in_dim3A_119 = vector.broadcast %broadcast_in_dim3A : i32 to vector<16xi32>
        %add3A_120 = vector.broadcast %and3A_97 : i32 to vector<16xi32>
        %add3A_121 = arith.addi %broadcast_in_dim3A_119, %add3A_120 : vector<16xi32>
        %broadcast_in_dim3A_122 = arith.constant 0 : i32
        %broadcast_in_dim3A_123 = vector.broadcast %broadcast_in_dim3A_122 : i32 to vector<16xi32>
        %add3A_124 = vector.broadcast %sub3A_118 : i32 to vector<16xi32>
        %add3A_125 = arith.addi %broadcast_in_dim3A_123, %add3A_124 : vector<16xi32>
        %and3A_126 = arith.constant 255 : i32
        %and3A_127 = arith.andi %while3A_112, %and3A_126 : i32
        %gather3A = tpu.vector_load_idx %arg9[%add3A_121, %iota3A, %add3A_125] : memref<2x32x1024xf32, #tpu.memory_space<vmem>>[vector<16xi32>, vector<16xi32>, vector<16xi32>], vector<16xf32>,
        %add3A_128 = arith.constant 16 : i32
        %add3A_129 = vector.broadcast %add3A_128 : i32 to vector<16xi32>
        %add3A_130 = arith.addi %iota3A, %add3A_129 : vector<16xi32>
        %gather3A_131 = tpu.vector_load_idx %arg9[%add3A_121, %add3A_130, %add3A_125] : memref<2x32x1024xf32, #tpu.memory_space<vmem>>[vector<16xi32>, vector<16xi32>, vector<16xi32>], vector<16xf32>,
        %swap3A = arith.index_cast %and3A_127 : i32 to index
        %swap3A_132 = arith.constant 0 : index
        %swap3A_133 = tpu.vector_load %arg10[%swap3A, %swap3A_132] {strides = array<i32>} : memref<256x128xf32, #tpu.memory_space<vmem>>, vector<16xf32>,
        tpu.vector_store %arg10[%swap3A, %swap3A_132], %gather3A {strides = array<i32>} : memref<256x128xf32, #tpu.memory_space<vmem>>, vector<16xf32>,
        %swap3A_134 = arith.index_cast %and3A_127 : i32 to index
        %swap3A_135 = arith.constant 16 : index
        %swap3A_136 = tpu.vector_load %arg10[%swap3A_134, %swap3A_135] {strides = array<i32>} : memref<256x128xf32, #tpu.memory_space<vmem>>, vector<16xf32>,
        tpu.vector_store %arg10[%swap3A_134, %swap3A_135], %gather3A_131 {strides = array<i32>} : memref<256x128xf32, #tpu.memory_space<vmem>>, vector<16xf32>,
        %add3A_137 = arith.constant 1 : i32
        %add3A_138 = arith.addi %while3A_112, %add3A_137 : i32
        scf.yield %add3A_138 : i32
      }
      %sub3A_99 = arith.subi %while3A_98, %while3A_67 : i32
      %ge3A = arith.constant 128 : i32
      %ge3A_100 = arith.cmpi sge, %sub3A_99, %ge3A : i32
      %convert_element_type3A_101 = arith.extui %ge3A_100 : i1 to i32
      %cond3A_102 = arith.constant 0 : i32
      %cond3A_103 = arith.cmpi ne, %convert_element_type3A_101, %cond3A_102 : i32
      %cond3A_104 = scf.if %cond3A_103 -> (i32) {
        %and3A_112 = arith.constant 255 : i32
        %and3A_113 = arith.andi %while3A_67, %and3A_112 : i32
        %multiple_of3A_114 = tpu.assume_multiple %and3A_113, 128 : i32
        %mul3A_115 = arith.constant 1280 : i32
        %mul3A_116 = arith.muli %add3A, %mul3A_115 : i32
        %add3A_117 = arith.addi %mul3A_116, %while3A_67 : i32
        %multiple_of3A_118 = tpu.assume_multiple %add3A_117, 128 : i32
        %dma_start3A_119 = arith.constant 0 : i32
        %dma_start3A_120 = tpu.memref_slice %arg10[%multiple_of3A_114, %dma_start3A_119] : memref<256x128xf32, #tpu.memory_space<vmem>> -> memref<128x128xf32, #tpu.memory_space<vmem>>
        %dma_start3A_121 = arith.constant 0 : i32
        %dma_start3A_122 = tpu.memref_slice %arg6[%multiple_of3A_118, %dma_start3A_121] : memref<40960x128xf32, #tpu.memory_space<hbm>> -> memref<128x128xf32, #tpu.memory_space<hbm>>
        %dma_start3A_123 = arith.constant 0 : i32
        %dma_start3A_124 = tpu.memref_slice %arg6[%multiple_of3A_118, %dma_start3A_123] : memref<40960x128xf32, #tpu.memory_space<hbm>> -> memref<128x128xf32, #tpu.memory_space<hbm>>
        %dma_start3A_125 = arith.constant 0 : i32
        %dma_start3A_126 = tpu.memref_slice %arg10[%multiple_of3A_114, %dma_start3A_125] : memref<256x128xf32, #tpu.memory_space<vmem>> -> memref<128x128xf32, #tpu.memory_space<vmem>>
        tpu.enqueue_dma source(%dma_start3A_126 : memref<128x128xf32, #tpu.memory_space<vmem>>) target(%dma_start3A_124 : memref<128x128xf32, #tpu.memory_space<hbm>>) target_semaphore(%arg12 : memref<!tpu.dma_semaphore, #tpu.memory_space<semaphore_mem>>)
        %add3A_127 = arith.constant 128 : i32
        %add3A_128 = arith.addi %while3A_67, %add3A_127 : i32
        scf.yield %add3A_128 : i32
      } else {
        scf.yield %while3A_67 : i32
      }
      %sub3A_105 = arith.subi %while3A_98, %cond3A_104 : i32
      %ge3A_106 = arith.constant 128 : i32
      %ge3A_107 = arith.cmpi sge, %sub3A_105, %ge3A_106 : i32
      %convert_element_type3A_108 = arith.extui %ge3A_107 : i1 to i32
      %cond3A_109 = arith.constant 0 : i32
      %cond3A_110 = arith.cmpi ne, %convert_element_type3A_108, %cond3A_109 : i32
      %cond3A_111 = scf.if %cond3A_110 -> (i32) {
        %and3A_112 = arith.constant 255 : i32
        %and3A_113 = arith.andi %cond3A_104, %and3A_112 : i32
        %multiple_of3A_114 = tpu.assume_multiple %and3A_113, 128 : i32
        %mul3A_115 = arith.constant 1280 : i32
        %mul3A_116 = arith.muli %add3A, %mul3A_115 : i32
        %add3A_117 = arith.addi %mul3A_116, %cond3A_104 : i32
        %multiple_of3A_118 = tpu.assume_multiple %add3A_117, 128 : i32
        %dma_start3A_119 = arith.constant 0 : i32
        %dma_start3A_120 = tpu.memref_slice %arg10[%multiple_of3A_114, %dma_start3A_119] : memref<256x128xf32, #tpu.memory_space<vmem>> -> memref<128x128xf32, #tpu.memory_space<vmem>>
        %dma_start3A_121 = arith.constant 0 : i32
        %dma_start3A_122 = tpu.memref_slice %arg6[%multiple_of3A_118, %dma_start3A_121] : memref<40960x128xf32, #tpu.memory_space<hbm>> -> memref<128x128xf32, #tpu.memory_space<hbm>>
        %dma_start3A_123 = arith.constant 0 : i32
        %dma_start3A_124 = tpu.memref_slice %arg6[%multiple_of3A_118, %dma_start3A_123] : memref<40960x128xf32, #tpu.memory_space<hbm>> -> memref<128x128xf32, #tpu.memory_space<hbm>>
        %dma_start3A_125 = arith.constant 0 : i32
        %dma_start3A_126 = tpu.memref_slice %arg10[%multiple_of3A_114, %dma_start3A_125] : memref<256x128xf32, #tpu.memory_space<vmem>> -> memref<128x128xf32, #tpu.memory_space<vmem>>
        tpu.enqueue_dma source(%dma_start3A_126 : memref<128x128xf32, #tpu.memory_space<vmem>>) target(%dma_start3A_124 : memref<128x128xf32, #tpu.memory_space<hbm>>) target_semaphore(%arg12 : memref<!tpu.dma_semaphore, #tpu.memory_space<semaphore_mem>>)
        %add3A_127 = arith.constant 128 : i32
        %add3A_128 = arith.addi %cond3A_104, %add3A_127 : i32
        scf.yield %add3A_128 : i32
      } else {
        scf.yield %cond3A_104 : i32
      }
      scf.yield %while3A_98, %cond3A_111 : i32, i32
    }
    %while3A_47 = arith.constant 1 : i32
    %while3A_48:2 = scf.for %while3A_65 = %while3A_44 to %while3A_40 step %while3A_47 iter_args(%while3A_66 = %while3A_46#0, %while3A_67 = %while3A_46#1) -> (i32, i32)  : i32 {
      %add3A_68 = arith.constant 1 : i32
      %add3A_69 = arith.addi %while3A_65, %add3A_68 : i32
      %lt3A_70 = arith.cmpi slt, %add3A_69, %select_n3A_19 : i32
      %convert_element_type3A_71 = arith.extui %lt3A_70 : i1 to i32
      %cond3A_72 = arith.constant 0 : i32
      %cond3A_73 = arith.cmpi ne, %convert_element_type3A_71, %cond3A_72 : i32
      scf.if %cond3A_73 {
        %add3A_112 = arith.constant 1 : i32
        %add3A_113 = arith.addi %while3A_65, %add3A_112 : i32
        %add3A_114 = arith.addi %select_n3A, %add3A_113 : i32
        %mul3A_115 = arith.constant 1024 : i32
        %mul3A_116 = arith.muli %add3A_114, %mul3A_115 : i32
        %and3A_117 = arith.constant 1 : i32
        %and3A_118 = arith.andi %add3A_113, %and3A_117 : i32
        %dma_start3A_119 = arith.constant 0 : i32
        %dma_start3A_120 = arith.constant 0 : i32
        %dma_start3A_121 = tpu.memref_slice %arg9[%and3A_118, %dma_start3A_119, %dma_start3A_120] : memref<2x32x1024xf32, #tpu.memory_space<vmem>> -> memref<1x32x1024xf32, #tpu.memory_space<vmem>>
        %dma_start3A_122 = tpu.memref_squeeze %dma_start3A_121 : memref<1x32x1024xf32, #tpu.memory_space<vmem>> -> memref<32x1024xf32, #tpu.memory_space<vmem>>
        %dma_start3A_123 = arith.constant 0 : i32
        %dma_start3A_124 = tpu.memref_slice %arg4[%dma_start3A_123, %mul3A_116] : memref<32x1000000xf32, #tpu.memory_space<hbm>> -> memref<32x1024xf32, #tpu.memory_space<hbm>>
        %dma_start3A_125 = arith.constant 0 : i32
        %dma_start3A_126 = arith.constant 0 : i32
        %dma_start3A_127 = tpu.memref_slice %arg9[%and3A_118, %dma_start3A_125, %dma_start3A_126] : memref<2x32x1024xf32, #tpu.memory_space<vmem>> -> memref<1x32x1024xf32, #tpu.memory_space<vmem>>
        %dma_start3A_128 = tpu.memref_squeeze %dma_start3A_127 : memref<1x32x1024xf32, #tpu.memory_space<vmem>> -> memref<32x1024xf32, #tpu.memory_space<vmem>>
        %dma_start3A_129 = arith.constant 0 : i32
        %dma_start3A_130 = tpu.memref_slice %arg4[%dma_start3A_129, %mul3A_116] : memref<32x1000000xf32, #tpu.memory_space<hbm>> -> memref<32x1024xf32, #tpu.memory_space<hbm>>
        tpu.enqueue_dma source(%dma_start3A_130 : memref<32x1024xf32, #tpu.memory_space<hbm>>) target(%dma_start3A_128 : memref<32x1024xf32, #tpu.memory_space<vmem>>) target_semaphore(%arg11 : memref<!tpu.dma_semaphore, #tpu.memory_space<semaphore_mem>>)
      } else {
      }
      %add3A_74 = arith.addi %select_n3A, %while3A_65 : i32
      %mul3A_75 = arith.constant 1024 : i32
      %mul3A_76 = arith.muli %add3A_74, %mul3A_75 : i32
      %and3A_77 = arith.constant 1 : i32
      %and3A_78 = arith.andi %while3A_65, %and3A_77 : i32
      %dma_wait3A = arith.constant 0 : i32
      %dma_wait3A_79 = arith.constant 0 : i32
      %dma_wait3A_80 = tpu.memref_slice %arg9[%and3A_78, %dma_wait3A, %dma_wait3A_79] : memref<2x32x1024xf32, #tpu.memory_space<vmem>> -> memref<1x32x1024xf32, #tpu.memory_space<vmem>>
      %dma_wait3A_81 = tpu.memref_squeeze %dma_wait3A_80 : memref<1x32x1024xf32, #tpu.memory_space<vmem>> -> memref<32x1024xf32, #tpu.memory_space<vmem>>
      %dma_wait3A_82 = arith.constant 0 : i32
      %dma_wait3A_83 = tpu.memref_slice %arg4[%dma_wait3A_82, %mul3A_76] : memref<32x1000000xf32, #tpu.memory_space<hbm>> -> memref<32x1024xf32, #tpu.memory_space<hbm>>
      %dma_wait3A_84 = arith.constant 0 : i32
      %dma_wait3A_85 = arith.constant 0 : i32
      %dma_wait3A_86 = tpu.memref_slice %arg9[%and3A_78, %dma_wait3A_84, %dma_wait3A_85] : memref<2x32x1024xf32, #tpu.memory_space<vmem>> -> memref<1x32x1024xf32, #tpu.memory_space<vmem>>
      %dma_wait3A_87 = tpu.memref_squeeze %dma_wait3A_86 : memref<1x32x1024xf32, #tpu.memory_space<vmem>> -> memref<32x1024xf32, #tpu.memory_space<vmem>>
      %dma_wait3A_88 = arith.constant 0 : i32
      %dma_wait3A_89 = tpu.memref_slice %arg4[%dma_wait3A_88, %mul3A_76] : memref<32x1000000xf32, #tpu.memory_space<hbm>> -> memref<32x1024xf32, #tpu.memory_space<hbm>>
      tpu.wait_dma2 semaphore(%arg11 : memref<!tpu.dma_semaphore, #tpu.memory_space<semaphore_mem>>) src(%dma_wait3A_89 : memref<32x1024xf32, #tpu.memory_space<hbm>>) dst(%dma_wait3A_87 : memref<32x1024xf32, #tpu.memory_space<vmem>>)
      %mul3A_90 = arith.constant 1024 : i32
      %mul3A_91 = arith.muli %add3A_74, %mul3A_90 : i32
      %add3A_92 = arith.constant 1 : i32
      %add3A_93 = arith.addi %add3A_74, %add3A_92 : i32
      %mul3A_94 = arith.constant 1024 : i32
      %mul3A_95 = arith.muli %add3A_93, %mul3A_94 : i32
      %and3A_96 = arith.constant 1 : i32
      %and3A_97 = arith.andi %while3A_65, %and3A_96 : i32
      %while3A_98 = scf.while (%while3A_112 = %while3A_66) : (i32) -> i32 {
        %add3A_113 = arith.addi %and3A_5, %while3A_112 : i32
        %get3A_114 = arith.index_cast %add3A_113 : i32 to index
        %get3A_115 = tpu.vector_load %arg7[%get3A_114] {strides = array<i32>} : memref<1312xi32, #tpu.memory_space<vmem>>, vector<16xi32>,
        %slice3A_116 = vector.extract_strided_slice %get3A_115 {offsets = [0], sizes = [1], strides = [1]} : vector<16xi32> to vector<1xi32>
        %squeeze3A_117 = vector.extract %slice3A_116[0] : i32 from vector<1xi32>
        %lt3A_118 = arith.cmpi slt, %while3A_112, %min3A_4 : i32
        %lt3A_119 = arith.cmpi slt, %squeeze3A_117, %mul3A_95 : i32
        %and3A_120 = arith.andi %lt3A_118, %lt3A_119 : i1
        scf.condition(%and3A_120) %while3A_112 : i32
      } do {
      ^bb0(%while3A_112: i32):
        %add3A_113 = arith.addi %and3A_5, %while3A_112 : i32
        %get3A_114 = arith.index_cast %add3A_113 : i32 to index
        %get3A_115 = tpu.vector_load %arg7[%get3A_114] {strides = array<i32>} : memref<1312xi32, #tpu.memory_space<vmem>>, vector<16xi32>,
        %slice3A_116 = vector.extract_strided_slice %get3A_115 {offsets = [0], sizes = [1], strides = [1]} : vector<16xi32> to vector<1xi32>
        %squeeze3A_117 = vector.extract %slice3A_116[0] : i32 from vector<1xi32>
        %sub3A_118 = arith.subi %squeeze3A_117, %mul3A_91 : i32
        %broadcast_in_dim3A = arith.constant 0 : i32
        %broadcast_in_dim3A_119 = vector.broadcast %broadcast_in_dim3A : i32 to vector<16xi32>
        %add3A_120 = vector.broadcast %and3A_97 : i32 to vector<16xi32>
        %add3A_121 = arith.addi %broadcast_in_dim3A_119, %add3A_120 : vector<16xi32>
        %broadcast_in_dim3A_122 = arith.constant 0 : i32
        %broadcast_in_dim3A_123 = vector.broadcast %broadcast_in_dim3A_122 : i32 to vector<16xi32>
        %add3A_124 = vector.broadcast %sub3A_118 : i32 to vector<16xi32>
        %add3A_125 = arith.addi %broadcast_in_dim3A_123, %add3A_124 : vector<16xi32>
        %and3A_126 = arith.constant 255 : i32
        %and3A_127 = arith.andi %while3A_112, %and3A_126 : i32
        %gather3A = tpu.vector_load_idx %arg9[%add3A_121, %iota3A, %add3A_125] : memref<2x32x1024xf32, #tpu.memory_space<vmem>>[vector<16xi32>, vector<16xi32>, vector<16xi32>], vector<16xf32>,
        %add3A_128 = arith.constant 16 : i32
        %add3A_129 = vector.broadcast %add3A_128 : i32 to vector<16xi32>
        %add3A_130 = arith.addi %iota3A, %add3A_129 : vector<16xi32>
        %gather3A_131 = tpu.vector_load_idx %arg9[%add3A_121, %add3A_130, %add3A_125] : memref<2x32x1024xf32, #tpu.memory_space<vmem>>[vector<16xi32>, vector<16xi32>, vector<16xi32>], vector<16xf32>,
        %swap3A = arith.index_cast %and3A_127 : i32 to index
        %swap3A_132 = arith.constant 0 : index
        %swap3A_133 = tpu.vector_load %arg10[%swap3A, %swap3A_132] {strides = array<i32>} : memref<256x128xf32, #tpu.memory_space<vmem>>, vector<16xf32>,
        tpu.vector_store %arg10[%swap3A, %swap3A_132], %gather3A {strides = array<i32>} : memref<256x128xf32, #tpu.memory_space<vmem>>, vector<16xf32>,
        %swap3A_134 = arith.index_cast %and3A_127 : i32 to index
        %swap3A_135 = arith.constant 16 : index
        %swap3A_136 = tpu.vector_load %arg10[%swap3A_134, %swap3A_135] {strides = array<i32>} : memref<256x128xf32, #tpu.memory_space<vmem>>, vector<16xf32>,
        tpu.vector_store %arg10[%swap3A_134, %swap3A_135], %gather3A_131 {strides = array<i32>} : memref<256x128xf32, #tpu.memory_space<vmem>>, vector<16xf32>,
        %add3A_137 = arith.constant 1 : i32
        %add3A_138 = arith.addi %while3A_112, %add3A_137 : i32
        scf.yield %add3A_138 : i32
      }
      %sub3A_99 = arith.subi %while3A_98, %while3A_67 : i32
      %ge3A = arith.constant 128 : i32
      %ge3A_100 = arith.cmpi sge, %sub3A_99, %ge3A : i32
      %convert_element_type3A_101 = arith.extui %ge3A_100 : i1 to i32
      %cond3A_102 = arith.constant 0 : i32
      %cond3A_103 = arith.cmpi ne, %convert_element_type3A_101, %cond3A_102 : i32
      %cond3A_104 = scf.if %cond3A_103 -> (i32) {
        %and3A_112 = arith.constant 255 : i32
        %and3A_113 = arith.andi %while3A_67, %and3A_112 : i32
        %multiple_of3A_114 = tpu.assume_multiple %and3A_113, 128 : i32
        %mul3A_115 = arith.constant 1280 : i32
        %mul3A_116 = arith.muli %add3A, %mul3A_115 : i32
        %add3A_117 = arith.addi %mul3A_116, %while3A_67 : i32
        %multiple_of3A_118 = tpu.assume_multiple %add3A_117, 128 : i32
        %dma_start3A_119 = arith.constant 0 : i32
        %dma_start3A_120 = tpu.memref_slice %arg10[%multiple_of3A_114, %dma_start3A_119] : memref<256x128xf32, #tpu.memory_space<vmem>> -> memref<128x128xf32, #tpu.memory_space<vmem>>
        %dma_start3A_121 = arith.constant 0 : i32
        %dma_start3A_122 = tpu.memref_slice %arg6[%multiple_of3A_118, %dma_start3A_121] : memref<40960x128xf32, #tpu.memory_space<hbm>> -> memref<128x128xf32, #tpu.memory_space<hbm>>
        %dma_start3A_123 = arith.constant 0 : i32
        %dma_start3A_124 = tpu.memref_slice %arg6[%multiple_of3A_118, %dma_start3A_123] : memref<40960x128xf32, #tpu.memory_space<hbm>> -> memref<128x128xf32, #tpu.memory_space<hbm>>
        %dma_start3A_125 = arith.constant 0 : i32
        %dma_start3A_126 = tpu.memref_slice %arg10[%multiple_of3A_114, %dma_start3A_125] : memref<256x128xf32, #tpu.memory_space<vmem>> -> memref<128x128xf32, #tpu.memory_space<vmem>>
        tpu.enqueue_dma source(%dma_start3A_126 : memref<128x128xf32, #tpu.memory_space<vmem>>) target(%dma_start3A_124 : memref<128x128xf32, #tpu.memory_space<hbm>>) target_semaphore(%arg12 : memref<!tpu.dma_semaphore, #tpu.memory_space<semaphore_mem>>)
        %add3A_127 = arith.constant 128 : i32
        %add3A_128 = arith.addi %while3A_67, %add3A_127 : i32
        scf.yield %add3A_128 : i32
      } else {
        scf.yield %while3A_67 : i32
      }
      %sub3A_105 = arith.subi %while3A_98, %cond3A_104 : i32
      %ge3A_106 = arith.constant 128 : i32
      %ge3A_107 = arith.cmpi sge, %sub3A_105, %ge3A_106 : i32
      %convert_element_type3A_108 = arith.extui %ge3A_107 : i1 to i32
      %cond3A_109 = arith.constant 0 : i32
      %cond3A_110 = arith.cmpi ne, %convert_element_type3A_108, %cond3A_109 : i32
      %cond3A_111 = scf.if %cond3A_110 -> (i32) {
        %and3A_112 = arith.constant 255 : i32
        %and3A_113 = arith.andi %cond3A_104, %and3A_112 : i32
        %multiple_of3A_114 = tpu.assume_multiple %and3A_113, 128 : i32
        %mul3A_115 = arith.constant 1280 : i32
        %mul3A_116 = arith.muli %add3A, %mul3A_115 : i32
        %add3A_117 = arith.addi %mul3A_116, %cond3A_104 : i32
        %multiple_of3A_118 = tpu.assume_multiple %add3A_117, 128 : i32
        %dma_start3A_119 = arith.constant 0 : i32
        %dma_start3A_120 = tpu.memref_slice %arg10[%multiple_of3A_114, %dma_start3A_119] : memref<256x128xf32, #tpu.memory_space<vmem>> -> memref<128x128xf32, #tpu.memory_space<vmem>>
        %dma_start3A_121 = arith.constant 0 : i32
        %dma_start3A_122 = tpu.memref_slice %arg6[%multiple_of3A_118, %dma_start3A_121] : memref<40960x128xf32, #tpu.memory_space<hbm>> -> memref<128x128xf32, #tpu.memory_space<hbm>>
        %dma_start3A_123 = arith.constant 0 : i32
        %dma_start3A_124 = tpu.memref_slice %arg6[%multiple_of3A_118, %dma_start3A_123] : memref<40960x128xf32, #tpu.memory_space<hbm>> -> memref<128x128xf32, #tpu.memory_space<hbm>>
        %dma_start3A_125 = arith.constant 0 : i32
        %dma_start3A_126 = tpu.memref_slice %arg10[%multiple_of3A_114, %dma_start3A_125] : memref<256x128xf32, #tpu.memory_space<vmem>> -> memref<128x128xf32, #tpu.memory_space<vmem>>
        tpu.enqueue_dma source(%dma_start3A_126 : memref<128x128xf32, #tpu.memory_space<vmem>>) target(%dma_start3A_124 : memref<128x128xf32, #tpu.memory_space<hbm>>) target_semaphore(%arg12 : memref<!tpu.dma_semaphore, #tpu.memory_space<semaphore_mem>>)
        %add3A_127 = arith.constant 128 : i32
        %add3A_128 = arith.addi %cond3A_104, %add3A_127 : i32
        scf.yield %add3A_128 : i32
      } else {
        scf.yield %cond3A_104 : i32
      }
      scf.yield %while3A_98, %cond3A_111 : i32, i32
    }
    %convert_element_type3A = arith.extui %eq3A_20 : i1 to i32
    %cond3A = arith.constant 0 : i32
    %cond3A_49 = arith.cmpi ne, %convert_element_type3A, %cond3A : i32
    scf.if %cond3A_49 {
      %run_scoped3A = arith.constant 0 : i32
      "tpu.region"() ({
        %run_scoped3A_65 = tpu.sem_alloc : memref<!tpu.dma_semaphore, #tpu.memory_space<semaphore_mem>>
        %dma_start3A_66 = arith.constant 0 : i32
        %dma_start3A_67 = arith.constant 0 : i32
        %dma_start3A_68 = tpu.memref_slice %arg9[%run_scoped3A, %dma_start3A_66, %dma_start3A_67] : memref<2x32x1024xf32, #tpu.memory_space<vmem>> -> memref<1x32x1024xf32, #tpu.memory_space<vmem>>
        %dma_start3A_69 = tpu.memref_squeeze %dma_start3A_68 : memref<1x32x1024xf32, #tpu.memory_space<vmem>> -> memref<32x1024xf32, #tpu.memory_space<vmem>>
        %dma_start3A_70 = arith.constant 0 : i32
        %dma_start3A_71 = arith.constant 0 : i32
        %dma_start3A_72 = tpu.memref_slice %arg9[%run_scoped3A, %dma_start3A_70, %dma_start3A_71] : memref<2x32x1024xf32, #tpu.memory_space<vmem>> -> memref<1x32x1024xf32, #tpu.memory_space<vmem>>
        %dma_start3A_73 = tpu.memref_squeeze %dma_start3A_72 : memref<1x32x1024xf32, #tpu.memory_space<vmem>> -> memref<32x1024xf32, #tpu.memory_space<vmem>>
        tpu.enqueue_dma source(%arg5 : memref<32x1024xf32, #tpu.memory_space<hbm>>) target(%dma_start3A_73 : memref<32x1024xf32, #tpu.memory_space<vmem>>) target_semaphore(%run_scoped3A_65 : memref<!tpu.dma_semaphore, #tpu.memory_space<semaphore_mem>>)
        %dma_wait3A = arith.constant 0 : i32
        %dma_wait3A_74 = arith.constant 0 : i32
        %dma_wait3A_75 = tpu.memref_slice %arg9[%run_scoped3A, %dma_wait3A, %dma_wait3A_74] : memref<2x32x1024xf32, #tpu.memory_space<vmem>> -> memref<1x32x1024xf32, #tpu.memory_space<vmem>>
        %dma_wait3A_76 = tpu.memref_squeeze %dma_wait3A_75 : memref<1x32x1024xf32, #tpu.memory_space<vmem>> -> memref<32x1024xf32, #tpu.memory_space<vmem>>
        %dma_wait3A_77 = arith.constant 0 : i32
        %dma_wait3A_78 = arith.constant 0 : i32
        %dma_wait3A_79 = tpu.memref_slice %arg9[%run_scoped3A, %dma_wait3A_77, %dma_wait3A_78] : memref<2x32x1024xf32, #tpu.memory_space<vmem>> -> memref<1x32x1024xf32, #tpu.memory_space<vmem>>
        %dma_wait3A_80 = tpu.memref_squeeze %dma_wait3A_79 : memref<1x32x1024xf32, #tpu.memory_space<vmem>> -> memref<32x1024xf32, #tpu.memory_space<vmem>>
        tpu.wait_dma2 semaphore(%run_scoped3A_65 : memref<!tpu.dma_semaphore, #tpu.memory_space<semaphore_mem>>) src(%arg5 : memref<32x1024xf32, #tpu.memory_space<hbm>>) dst(%dma_wait3A_80 : memref<32x1024xf32, #tpu.memory_space<vmem>>)
        tpu.yield
      }) : () -> ()
    } else {
    }
    %convert_element_type3A_50 = arith.extui %eq3A_20 : i1 to i32
    %cond3A_51 = arith.constant 0 : i32
    %cond3A_52 = arith.cmpi ne, %convert_element_type3A_50, %cond3A_51 : i32
    %cond3A_53:2 = scf.if %cond3A_52 -> (i32, i32) {
      %while3A_65 = arith.constant 1000001 : i32
      %while3A_66 = arith.constant 999424 : i32
      %while3A_67 = scf.while (%while3A_81 = %while3A_48#0) : (i32) -> i32 {
        %add3A_82 = arith.addi %and3A_5, %while3A_81 : i32
        %get3A_83 = arith.index_cast %add3A_82 : i32 to index
        %get3A_84 = tpu.vector_load %arg7[%get3A_83] {strides = array<i32>} : memref<1312xi32, #tpu.memory_space<vmem>>, vector<16xi32>,
        %slice3A_85 = vector.extract_strided_slice %get3A_84 {offsets = [0], sizes = [1], strides = [1]} : vector<16xi32> to vector<1xi32>
        %squeeze3A_86 = vector.extract %slice3A_85[0] : i32 from vector<1xi32>
        %lt3A_87 = arith.cmpi slt, %while3A_81, %min3A_4 : i32
        %lt3A_88 = arith.cmpi slt, %squeeze3A_86, %while3A_65 : i32
        %and3A_89 = arith.andi %lt3A_87, %lt3A_88 : i1
        scf.condition(%and3A_89) %while3A_81 : i32
      } do {
      ^bb0(%while3A_81: i32):
        %add3A_82 = arith.addi %and3A_5, %while3A_81 : i32
        %get3A_83 = arith.index_cast %add3A_82 : i32 to index
        %get3A_84 = tpu.vector_load %arg7[%get3A_83] {strides = array<i32>} : memref<1312xi32, #tpu.memory_space<vmem>>, vector<16xi32>,
        %slice3A_85 = vector.extract_strided_slice %get3A_84 {offsets = [0], sizes = [1], strides = [1]} : vector<16xi32> to vector<1xi32>
        %squeeze3A_86 = vector.extract %slice3A_85[0] : i32 from vector<1xi32>
        %sub3A_87 = arith.subi %squeeze3A_86, %while3A_66 : i32
        %broadcast_in_dim3A = arith.constant 0 : i32
        %broadcast_in_dim3A_88 = vector.broadcast %broadcast_in_dim3A : i32 to vector<16xi32>
        %add3A_89 = arith.constant 0 : i32
        %add3A_90 = vector.broadcast %add3A_89 : i32 to vector<16xi32>
        %add3A_91 = arith.addi %broadcast_in_dim3A_88, %add3A_90 : vector<16xi32>
        %broadcast_in_dim3A_92 = arith.constant 0 : i32
        %broadcast_in_dim3A_93 = vector.broadcast %broadcast_in_dim3A_92 : i32 to vector<16xi32>
        %add3A_94 = vector.broadcast %sub3A_87 : i32 to vector<16xi32>
        %add3A_95 = arith.addi %broadcast_in_dim3A_93, %add3A_94 : vector<16xi32>
        %and3A_96 = arith.constant 255 : i32
        %and3A_97 = arith.andi %while3A_81, %and3A_96 : i32
        %gather3A = tpu.vector_load_idx %arg9[%add3A_91, %iota3A, %add3A_95] : memref<2x32x1024xf32, #tpu.memory_space<vmem>>[vector<16xi32>, vector<16xi32>, vector<16xi32>], vector<16xf32>,
        %add3A_98 = arith.constant 16 : i32
        %add3A_99 = vector.broadcast %add3A_98 : i32 to vector<16xi32>
        %add3A_100 = arith.addi %iota3A, %add3A_99 : vector<16xi32>
        %gather3A_101 = tpu.vector_load_idx %arg9[%add3A_91, %add3A_100, %add3A_95] : memref<2x32x1024xf32, #tpu.memory_space<vmem>>[vector<16xi32>, vector<16xi32>, vector<16xi32>], vector<16xf32>,
        %swap3A = arith.index_cast %and3A_97 : i32 to index
        %swap3A_102 = arith.constant 0 : index
        %swap3A_103 = tpu.vector_load %arg10[%swap3A, %swap3A_102] {strides = array<i32>} : memref<256x128xf32, #tpu.memory_space<vmem>>, vector<16xf32>,
        tpu.vector_store %arg10[%swap3A, %swap3A_102], %gather3A {strides = array<i32>} : memref<256x128xf32, #tpu.memory_space<vmem>>, vector<16xf32>,
        %swap3A_104 = arith.index_cast %and3A_97 : i32 to index
        %swap3A_105 = arith.constant 16 : index
        %swap3A_106 = tpu.vector_load %arg10[%swap3A_104, %swap3A_105] {strides = array<i32>} : memref<256x128xf32, #tpu.memory_space<vmem>>, vector<16xf32>,
        tpu.vector_store %arg10[%swap3A_104, %swap3A_105], %gather3A_101 {strides = array<i32>} : memref<256x128xf32, #tpu.memory_space<vmem>>, vector<16xf32>,
        %add3A_107 = arith.constant 1 : i32
        %add3A_108 = arith.addi %while3A_81, %add3A_107 : i32
        scf.yield %add3A_108 : i32
      }
      %sub3A_68 = arith.subi %while3A_67, %while3A_48#1 : i32
      %ge3A = arith.constant 128 : i32
      %ge3A_69 = arith.cmpi sge, %sub3A_68, %ge3A : i32
      %convert_element_type3A_70 = arith.extui %ge3A_69 : i1 to i32
      %cond3A_71 = arith.constant 0 : i32
      %cond3A_72 = arith.cmpi ne, %convert_element_type3A_70, %cond3A_71 : i32
      %cond3A_73 = scf.if %cond3A_72 -> (i32) {
        %and3A_81 = arith.constant 255 : i32
        %and3A_82 = arith.andi %while3A_48#1, %and3A_81 : i32
        %multiple_of3A_83 = tpu.assume_multiple %and3A_82, 128 : i32
        %mul3A_84 = arith.constant 1280 : i32
        %mul3A_85 = arith.muli %add3A, %mul3A_84 : i32
        %add3A_86 = arith.addi %mul3A_85, %while3A_48#1 : i32
        %multiple_of3A_87 = tpu.assume_multiple %add3A_86, 128 : i32
        %dma_start3A_88 = arith.constant 0 : i32
        %dma_start3A_89 = tpu.memref_slice %arg10[%multiple_of3A_83, %dma_start3A_88] : memref<256x128xf32, #tpu.memory_space<vmem>> -> memref<128x128xf32, #tpu.memory_space<vmem>>
        %dma_start3A_90 = arith.constant 0 : i32
        %dma_start3A_91 = tpu.memref_slice %arg6[%multiple_of3A_87, %dma_start3A_90] : memref<40960x128xf32, #tpu.memory_space<hbm>> -> memref<128x128xf32, #tpu.memory_space<hbm>>
        %dma_start3A_92 = arith.constant 0 : i32
        %dma_start3A_93 = tpu.memref_slice %arg6[%multiple_of3A_87, %dma_start3A_92] : memref<40960x128xf32, #tpu.memory_space<hbm>> -> memref<128x128xf32, #tpu.memory_space<hbm>>
        %dma_start3A_94 = arith.constant 0 : i32
        %dma_start3A_95 = tpu.memref_slice %arg10[%multiple_of3A_83, %dma_start3A_94] : memref<256x128xf32, #tpu.memory_space<vmem>> -> memref<128x128xf32, #tpu.memory_space<vmem>>
        tpu.enqueue_dma source(%dma_start3A_95 : memref<128x128xf32, #tpu.memory_space<vmem>>) target(%dma_start3A_93 : memref<128x128xf32, #tpu.memory_space<hbm>>) target_semaphore(%arg12 : memref<!tpu.dma_semaphore, #tpu.memory_space<semaphore_mem>>)
        %add3A_96 = arith.constant 128 : i32
        %add3A_97 = arith.addi %while3A_48#1, %add3A_96 : i32
        scf.yield %add3A_97 : i32
      } else {
        scf.yield %while3A_48#1 : i32
      }
      %sub3A_74 = arith.subi %while3A_67, %cond3A_73 : i32
      %ge3A_75 = arith.constant 128 : i32
      %ge3A_76 = arith.cmpi sge, %sub3A_74, %ge3A_75 : i32
      %convert_element_type3A_77 = arith.extui %ge3A_76 : i1 to i32
      %cond3A_78 = arith.constant 0 : i32
      %cond3A_79 = arith.cmpi ne, %convert_element_type3A_77, %cond3A_78 : i32
      %cond3A_80 = scf.if %cond3A_79 -> (i32) {
        %and3A_81 = arith.constant 255 : i32
        %and3A_82 = arith.andi %cond3A_73, %and3A_81 : i32
        %multiple_of3A_83 = tpu.assume_multiple %and3A_82, 128 : i32
        %mul3A_84 = arith.constant 1280 : i32
        %mul3A_85 = arith.muli %add3A, %mul3A_84 : i32
        %add3A_86 = arith.addi %mul3A_85, %cond3A_73 : i32
        %multiple_of3A_87 = tpu.assume_multiple %add3A_86, 128 : i32
        %dma_start3A_88 = arith.constant 0 : i32
        %dma_start3A_89 = tpu.memref_slice %arg10[%multiple_of3A_83, %dma_start3A_88] : memref<256x128xf32, #tpu.memory_space<vmem>> -> memref<128x128xf32, #tpu.memory_space<vmem>>
        %dma_start3A_90 = arith.constant 0 : i32
        %dma_start3A_91 = tpu.memref_slice %arg6[%multiple_of3A_87, %dma_start3A_90] : memref<40960x128xf32, #tpu.memory_space<hbm>> -> memref<128x128xf32, #tpu.memory_space<hbm>>
        %dma_start3A_92 = arith.constant 0 : i32
        %dma_start3A_93 = tpu.memref_slice %arg6[%multiple_of3A_87, %dma_start3A_92] : memref<40960x128xf32, #tpu.memory_space<hbm>> -> memref<128x128xf32, #tpu.memory_space<hbm>>
        %dma_start3A_94 = arith.constant 0 : i32
        %dma_start3A_95 = tpu.memref_slice %arg10[%multiple_of3A_83, %dma_start3A_94] : memref<256x128xf32, #tpu.memory_space<vmem>> -> memref<128x128xf32, #tpu.memory_space<vmem>>
        tpu.enqueue_dma source(%dma_start3A_95 : memref<128x128xf32, #tpu.memory_space<vmem>>) target(%dma_start3A_93 : memref<128x128xf32, #tpu.memory_space<hbm>>) target_semaphore(%arg12 : memref<!tpu.dma_semaphore, #tpu.memory_space<semaphore_mem>>)
        %add3A_96 = arith.constant 128 : i32
        %add3A_97 = arith.addi %cond3A_73, %add3A_96 : i32
        scf.yield %add3A_97 : i32
      } else {
        scf.yield %cond3A_73 : i32
      }
      scf.yield %while3A_67, %cond3A_80 : i32, i32
    } else {
      scf.yield %while3A_48#0, %while3A_48#1 : i32, i32
    }
    %scan3A = arith.constant 0 : i32
    %scan3A_54 = arith.constant 10 : i32
    %scan3A_55 = arith.addi %scan3A, %scan3A_54 : i32
    %scan3A_56 = arith.constant 1 : i32
    %scan3A_57 = scf.for %scan3A_65 = %scan3A to %scan3A_55 step %scan3A_56 iter_args(%scan3A_66 = %cond3A_53#1) -> (i32)  : i32 {
      %lt3A_67 = arith.cmpi slt, %scan3A_66, %cond3A_53#0 : i32
      %convert_element_type3A_68 = arith.extui %lt3A_67 : i1 to i32
      %cond3A_69 = arith.constant 0 : i32
      %cond3A_70 = arith.cmpi ne, %convert_element_type3A_68, %cond3A_69 : i32
      %cond3A_71 = scf.if %cond3A_70 -> (i32) {
        %and3A_72 = arith.constant 255 : i32
        %and3A_73 = arith.andi %scan3A_66, %and3A_72 : i32
        %multiple_of3A_74 = tpu.assume_multiple %and3A_73, 128 : i32
        %mul3A_75 = arith.constant 1280 : i32
        %mul3A_76 = arith.muli %add3A, %mul3A_75 : i32
        %add3A_77 = arith.addi %mul3A_76, %scan3A_66 : i32
        %multiple_of3A_78 = tpu.assume_multiple %add3A_77, 128 : i32
        %dma_start3A_79 = arith.constant 0 : i32
        %dma_start3A_80 = tpu.memref_slice %arg10[%multiple_of3A_74, %dma_start3A_79] : memref<256x128xf32, #tpu.memory_space<vmem>> -> memref<128x128xf32, #tpu.memory_space<vmem>>
        %dma_start3A_81 = arith.constant 0 : i32
        %dma_start3A_82 = tpu.memref_slice %arg6[%multiple_of3A_78, %dma_start3A_81] : memref<40960x128xf32, #tpu.memory_space<hbm>> -> memref<128x128xf32, #tpu.memory_space<hbm>>
        %dma_start3A_83 = arith.constant 0 : i32
        %dma_start3A_84 = tpu.memref_slice %arg6[%multiple_of3A_78, %dma_start3A_83] : memref<40960x128xf32, #tpu.memory_space<hbm>> -> memref<128x128xf32, #tpu.memory_space<hbm>>
        %dma_start3A_85 = arith.constant 0 : i32
        %dma_start3A_86 = tpu.memref_slice %arg10[%multiple_of3A_74, %dma_start3A_85] : memref<256x128xf32, #tpu.memory_space<vmem>> -> memref<128x128xf32, #tpu.memory_space<vmem>>
        tpu.enqueue_dma source(%dma_start3A_86 : memref<128x128xf32, #tpu.memory_space<vmem>>) target(%dma_start3A_84 : memref<128x128xf32, #tpu.memory_space<hbm>>) target_semaphore(%arg12 : memref<!tpu.dma_semaphore, #tpu.memory_space<semaphore_mem>>)
        %add3A_87 = arith.constant 128 : i32
        %add3A_88 = arith.addi %scan3A_66, %add3A_87 : i32
        scf.yield %add3A_88 : i32
      } else {
        scf.yield %scan3A_66 : i32
      }
      scf.yield %cond3A_71 : i32
    }
    %scan3A_58 = arith.constant 10 : i32
    %scan3A_59 = arith.constant 0 : i32
    %scan3A_60 = arith.constant 0 : i32
    %scan3A_61 = arith.constant 10 : i32
    %scan3A_62 = arith.addi %scan3A_60, %scan3A_61 : i32
    %scan3A_63 = arith.constant 1 : i32
    scf.for %scan3A_65 = %scan3A_60 to %scan3A_62 step %scan3A_63  : i32 {
      %mul3A_66 = arith.constant 128 : i32
      %mul3A_67 = arith.muli %scan3A_65, %mul3A_66 : i32
      %lt3A_68 = arith.cmpi slt, %mul3A_67, %scan3A_57 : i32
      %convert_element_type3A_69 = arith.extui %lt3A_68 : i1 to i32
      %cond3A_70 = arith.constant 0 : i32
      %cond3A_71 = arith.cmpi ne, %convert_element_type3A_69, %cond3A_70 : i32
      scf.if %cond3A_71 {
        %mul3A_72 = arith.constant 1280 : i32
        %mul3A_73 = arith.muli %add3A, %mul3A_72 : i32
        %dma_wait3A = arith.constant 0 : i32
        %dma_wait3A_74 = arith.constant 0 : i32
        %dma_wait3A_75 = tpu.memref_slice %arg10[%dma_wait3A, %dma_wait3A_74] : memref<256x128xf32, #tpu.memory_space<vmem>> -> memref<128x128xf32, #tpu.memory_space<vmem>>
        %dma_wait3A_76 = arith.constant 0 : i32
        %dma_wait3A_77 = tpu.memref_slice %arg6[%mul3A_73, %dma_wait3A_76] : memref<40960x128xf32, #tpu.memory_space<hbm>> -> memref<128x128xf32, #tpu.memory_space<hbm>>
        %dma_wait3A_78 = arith.constant 0 : i32
        %dma_wait3A_79 = tpu.memref_slice %arg6[%mul3A_73, %dma_wait3A_78] : memref<40960x128xf32, #tpu.memory_space<hbm>> -> memref<128x128xf32, #tpu.memory_space<hbm>>
        %dma_wait3A_80 = arith.constant 0 : i32
        %dma_wait3A_81 = arith.constant 0 : i32
        %dma_wait3A_82 = tpu.memref_slice %arg10[%dma_wait3A_80, %dma_wait3A_81] : memref<256x128xf32, #tpu.memory_space<vmem>> -> memref<128x128xf32, #tpu.memory_space<vmem>>
        tpu.wait_dma2 semaphore(%arg12 : memref<!tpu.dma_semaphore, #tpu.memory_space<semaphore_mem>>) src(%dma_wait3A_82 : memref<128x128xf32, #tpu.memory_space<vmem>>) dst(%dma_wait3A_79 : memref<128x128xf32, #tpu.memory_space<hbm>>)
      } else {
      }
    }
    %scan3A_64 = arith.constant 10 : i32
    return
  }
}

</mosaic_0001>

<sc_bundles>
// kernel: kernel.11.cloned.1.call-start
scs
__scs_entry_jumppad:
0x0: {  	(pc) =	sbr.rel $0x88, $3  }
0x1: {  	(tag) =	ssettag $0x0;
	lr =	simm.s32 $0x1  }
0x2: {  	[smem:$0x3F9F] =	sst lr;
	_ =	strace $0xD0000000  }
0x3: {  	_ = 	snop  }
0x4: {  	_ = 	snop  }
0x5: {  	_ = 	snop  }
0x6: {  	_ = 	snop  }
0x7: {  	_ = 	snop  }
__scs_overlays_trampoline_lowered:
0x8: {  	[smem:$0x3FAE] =	sst s0  }
0x9: {  	[smem:$0x3FAF] =	sst s1  }
0xa: {  	[smem:$0x3FB0] =	sst s2  }
0xb: {  	[smem:$0x3FB1] =	sst s3  }
0xc: {  	[smem:$0x3FB2] =	sst s4  }
0xd: {  	[smem:$0x3FB3] =	sst s5  }
0xe: {  	[smem:$0x3FB4] =	sst s6  }
0xf: {  	[smem:$0x3FB5] =	sst s7  }
0x10: {  	[smem:$0x3FB6] =	sst s8  }
0x11: {  	[smem:$0x3FB7] =	sst s9;
	s0 =	simm.s32 @!p0 $0x0  }
0x12: {  	s1 =	sld [smem:$0x3F9D];
	s0 =	simm.s32 @p0 $0x1  }
0x13: {  	[smem:$0x3FB8] =	sst s0;
	s0 =	simm.s32 @!p1 $0x0  }
0x14: {  	s2 =	sld [smem:$0x3F9C];
	s0 =	simm.s32 @p1 $0x1  }
0x15: {  	[smem:$0x3FB9] =	sst s0;
	s0 =	simm.s32 @!p2 $0x0  }
0x16: {  	s3 =	sld [smem:$0x3FDB];
	s0 =	simm.s32 @p2 $0x1  }
0x17: {  	s4 =	simm.s32 $0x1BF5;
	[smem:$0x3FBB] =	sst s0  }
0x18: {  	s0 =	sld [smem:$0x3F9E];
	_ =	swait.ge [sflag:s4], $0x0  }
0x19: {  	s7 =	sld [smem:$0x3F9F]  }
0x1a: {  	s8 =	sadd.s32 $0xFFFFE003, lr  }
0x1b: {  	s9 =	sadd.s32 $0xFFFFFEF7, lr;
	s5 =	simm.s32 $0xFFFFFFFF;
	p2 =	slt.u32 s8, $0xFFFFF086  }
0x1c: {  	p1 =	slt.u32 s9, $0xF7A;
	s5 =	simm.s32 @!p2 $0x0  }
0x1d: {  	s5 =	simm.s32 @p1 $0x1;
	p0 =	seq.s32 s7, s2  }
0x1e: {  	s7 =	smul.u32 @!p0 $0xF7A, s2;
	p2 =	seq.s32 @!p0 s5, $0x0  }
0x1f: {  	s9 =	smul.u32 $0xF7A, s1;
	s8 =	simm.s32 @!p0 $0x1BF5;
	p2 =	por !p2, p0  }
0x20: {  	[sflag:s8] =	ssyncset.s32 @!p0 $0xFFFFF086;
	s6 =	sadd.s32 @!p0 s3, s7;
	s7 =	simm.s32 @!p0 $0x108  }
0x21: {  	s3 =	sadd.s32 s3, s9;
	s6 =	sadd.s32 @!p0 $0x88, s6;
	s7 =	simm.s32 @p2 $0x1082  }
0x22: {  	[simem:s7], [sflag:s8] =	dma.local @!p0 [hbm:s6], $0xF7A  }
0x23: {  	s9 =	sor.u32 $0xD0000000, s2;
	s6 =	simm.s32 $0x108;
	_ =	swait.ge @!p0 [sflag:s8], $0x0  }
0x24: {  	s3 =	sadd.s32 $0x88, s3;
	s6 =	simm.s32 @!p1 $0x1082;
	[sflag:s4] =	ssyncset.s32 $0xFFFFF086  }
0x25: {  	[simem:s6], [sflag:s4] =	dma.local [hbm:s3], $0xF7A  }
0x26: {  	[smem:$0x3F9F] =	sst s1;
	(tag) =	ssettag s2;
	_ =	strace s9  }
0x27: {  	s1 =	sld [smem:$0x3FAF]  }
0x28: {  	s2 =	sld [smem:$0x3FB0]  }
0x29: {  	s4 =	sld [smem:$0x3FB2]  }
0x2a: {  	p0 =	seq.s32 s5, $0x0;
	s5 =	sld [smem:$0x3FB3]  }
0x2b: {  	s6 =	sld [smem:$0x3FB4]  }
0x2c: {  	s7 =	sld [smem:$0x3FB5]  }
0x2d: {  	s3 =	simm.s32 $0x108;
	s8 =	sld [smem:$0x3FB6]  }
0x2e: {  	s3 =	simm.s32 @!p0 $0x1082;
	s9 =	sld [smem:$0x3FB7]  }
0x2f: {  	lr =	sadd.s32 s0, s3;
	s0 =	sld [smem:$0x3FAE]  }
0x30: {  	s3 =	sld [smem:$0x3FB1]  }
0x31: {  	[smem:$0x3FBA] =	sst s10  }
0x32: {  	s10 =	sld [smem:$0x3FB8];
	_ =	sdelay $0x3  }
0x33: {  	p0 =	seq.s32 s10, $0x1;
	s10 =	sld [smem:$0x3FBA];
	_ =	sdelay $0x3  }
0x34: {  	[smem:$0x3FBA] =	sst s10  }
0x35: {  	s10 =	sld [smem:$0x3FB9];
	_ =	sdelay $0x3  }
0x36: {  	p1 =	seq.s32 s10, $0x1;
	s10 =	sld [smem:$0x3FBA];
	_ =	sdelay $0x3  }
0x37: {  	[smem:$0x3FBA] =	sst s10  }
0x38: {  	s10 =	sld [smem:$0x3FBB]  }
0x39: {  	_ = 	snop;
	(pc) =	sbr.ind lr, $3  }
0x3a: {  	_ = 	snop  }
0x3b: {  	_ = 	snop  }
0x3c: {  	p2 =	seq.s32 s10, $0x1;
	s10 =	sld [smem:$0x3FBA]  }
0x3d: {  	_ =	shalt  }
0x3e: {  	_ =	shalt  }
0x3f: {  	_ =	shalt  }
0x40: {  	_ =	shalt  }
0x41: {  	_ =	shalt  }
0x42: {  	_ =	shalt  }
0x43: {  	_ =	shalt  }
0x44: {  	_ =	shalt  }
0x45: {  	_ =	shalt  }
0x46: {  	_ =	shalt  }
0x47: {  	_ =	shalt  }
0x48: {  	_ =	shalt  }
0x49: {  	_ =	shalt  }
0x4a: {  	_ =	shalt  }
0x4b: {  	_ =	shalt  }
0x4c: {  	_ =	shalt  }
0x4d: {  	_ =	shalt  }
0x4e: {  	_ =	shalt  }
0x4f: {  	_ =	shalt  }
0x50: {  	_ =	shalt  }
0x51: {  	_ =	shalt  }
0x52: {  	_ =	shalt  }
0x53: {  	_ =	shalt  }
0x54: {  	_ =	shalt  }
0x55: {  	_ =	shalt  }
0x56: {  	_ =	shalt  }
0x57: {  	_ =	shalt  }
0x58: {  	_ =	shalt  }
0x59: {  	_ =	shalt  }
0x5a: {  	_ =	shalt  }
0x5b: {  	_ =	shalt  }
0x5c: {  	_ =	shalt  }
0x5d: {  	_ =	shalt  }
0x5e: {  	_ =	shalt  }
0x5f: {  	_ =	shalt  }
0x60: {  	_ =	shalt  }
0x61: {  	_ =	shalt  }
0x62: {  	_ =	shalt  }
0x63: {  	_ =	shalt  }
0x64: {  	_ =	shalt  }
0x65: {  	_ =	shalt  }
0x66: {  	_ =	shalt  }
0x67: {  	_ =	shalt  }
0x68: {  	_ =	shalt  }
0x69: {  	_ =	shalt  }
0x6a: {  	_ =	shalt  }
0x6b: {  	_ =	shalt  }
0x6c: {  	_ =	shalt  }
0x6d: {  	_ =	shalt  }
0x6e: {  	_ =	shalt  }
0x6f: {  	_ =	shalt  }
0x70: {  	_ =	shalt  }
0x71: {  	_ =	shalt  }
0x72: {  	_ =	shalt  }
0x73: {  	_ =	shalt  }
0x74: {  	_ =	shalt  }
0x75: {  	_ =	shalt  }
0x76: {  	_ =	shalt  }
0x77: {  	_ =	shalt  }
0x78: {  	_ =	shalt  }
0x79: {  	_ =	shalt  }
0x7a: {  	_ =	shalt  }
0x7b: {  	_ =	shalt  }
0x7c: {  	_ =	shalt  }
0x7d: {  	_ =	shalt  }
0x7e: {  	_ =	shalt  }
0x7f: {  	_ =	shalt  }
0x80: {  	_ =	shalt  }
0x81: {  	_ =	shalt  }
0x82: {  	_ =	shalt  }
0x83: {  	_ =	shalt  }
0x84: {  	_ =	shalt  }
0x85: {  	_ =	shalt  }
0x86: {  	_ =	shalt  }
0x87: {  	_ =	shalt  }
.Lfunc_end0:
.L_simem_size_0:
called_computation.2_lowered:
.L_overlay_start_0:
0x88: {  	s2 =	sld [smem:$0x3FD9]  }
0x89: {  	s3 =	sld [smem:$0x3FFE];
	_ =	sdelay $0x1  }
0x8a: {  	s1 =	srdreg.scid  }
0x8b: {  	s0 =	sand.u32 $0x1, s1  }
0x8c: {  	s17 =	sshll.u32 s0, $0xA;
	s2 =	sadd.s32 s3, s2  }
0x8d: {  	s2 =	sadd.s32 s2, s17  }
0x8e: {  	[smem:$0x3FC6] =	sst s2  }
0x8f: {  	_ = 	snop  }
0x90: {  	s2 =	sld [smem:$0x3FD0];
	(tm) =	ssettm $0x1  }
0x91: {  	s18 =	sld [smem:$0x3FFB];
	_ =	sdelay $0x3  }
0x92: {  	_ =	strace s18  }
0x93: {  	s3 =	sld [smem:$0x3FFC];
	_ =	sdelay $0x3  }
0x94: {  	_ =	strace s3  }
0x95: {  	s3 =	sld [smem:$0x3FFD];
	_ =	sdelay $0x3  }
0x96: {  	_ =	strace s3  }
0x97: {  	_ =	strace $0x8FFFFFFF  }
0x98: {  	s19 =	sld [smem:$0x3FDB];
	_ =	sdelay $0x1  }
0x99: {  	s4 =	simm.s32 $_scs_section_size  }
0x9a: {  	s5 =	simm.s32 $_size__tile_overlayer_lowered;
	s6 =	simm.s32 $_tile_overlayer_lowered  }
0x9b: {  	s22 =	simm.s32 $0x1BFF;
	s21 =	sshll.u32 s6, $0x1;
	s3 =	sadd.s32 s4, s19  }
0x9c: {  	s7 =	simm.s32 $0x0;
	s20 =	sshll.u32 s5, $0x1;
	s5 =	sadd.s32 s21, s3  }
0x9d: {  	[timem:s7], [sflag:s22] =	dma.local [hbm:s5], s20  }
0x9e: {  	_ =	swait.ge [sflag:s22], s20  }
0x9f: {  	s4 =	ssub.s32 $0x0, s20;
	[sflag:s22] =	ssyncset.done $0x0  }
0xa0: {  	[sflag:s22] =	ssyncadd.s32 s4;
	_ =	sdelay $0x1  }
0xa1: {  	s23 =	simm.s32 $0x1B8B  }
0xa2: {  	_ =	swait.ge [sflag:s23], $0x1  }
0xa3: {  	[sflag:s23] =	ssyncset.done $0x0  }
0xa4: {  	s25 =	simm.s32 $0x1B8E;
	s24 =	sld [smem:$0x3FFE];
	[sflag:s23] =	ssyncadd.s32 $0xFFFFFFFF  }
0xa5: {  	s26 =	simm.s32 $execute0_lowered;
	[smem:$0x3FD2] =	sst s25  }
0xa6: {  	s5 =	sshll.u32 s26, $0x1;
	_ =	strace $0x8000004C;
	[dreg:$0x1] =	wrdreg $0xFFFFFFFF  }
0xa7: {  	s28 =	simm.s32 $_size_execute0_lowered;
	s3 =	sadd.s32 s3, s5;
	[dreg:$0x0] =	wrdreg $0x0  }
0xa8: {  	s5 =	sshll.u32 s28, $0x1;
	[dreg:$0x2] =	wrdreg s3  }
0xa9: {  	[dreg:$0x3] =	wrdreg s5  }
0xaa: {  	[dreg:$0x4] =	wrdreg $0xC0  }
0xab: {  	_ =	task [dreg:s7], $0x5FFFF  }
0xac: {  	[dreg:$0x1] =	wrdreg $0xFFFFFFFF  }
0xad: {  	[dreg:$0x0] =	wrdreg $0x60  }
0xae: {  	[dreg:$0x2] =	wrdreg s24  }
0xaf: {  	[dreg:$0x3] =	wrdreg s2  }
0xb0: {  	[dreg:$0x4] =	wrdreg $0x9  }
0xb1: {  	_ =	task.clear_ibuf [dreg:s7], $0x5FFFF;
	_ =	strace $0x9000004C  }
0xb2: {  	s29 =	simm.s32 $0x9;
	_ =	strace $0x8000004E  }
0xb3: {  	_ =	swait.ge [sflag:s29], $0x1  }
0xb4: {  	[sflag:s29] =	ssyncadd.s32 $0xFFFFFFFF  }
0xb5: {  	_ =	strace $0x9000004E  }
0xb6: {  	_ =	sfence  }
0xb7: {  	s30 =	sld [smem:$0x0];
	_ =	sdelay $0x2  }
0xb8: {  	s31 =	sshll.u32 s1, $0xD;
	s1 =	sshrl.u32 s1, $0x2  }
0xb9: {  	s3 =	sand.u32 $0x4000, s31;
	s1 =	sadd.s32 s1, s30  }
0xba: {  	s0 =	sor.u32 s3, s0;
	s1 =	sshll.u32 s1, $0x11  }
0xbb: {  	s0 =	sor.u32 s1, s0  }
0xbc: {  	s0 =	sadd.s32 $0x8F2B, s0  }
0xbd: {  	[sflag:s0] =	ssyncadd.remote.s32 $0x1  }
0xbe: {  	_ =	sfence.sel $0xFFFF  }
0xbf: {  	[dreg:$0x0] =	wrdreg $0xFFFFFFFF;
	(pc) =	sbr.abs _section_cstart, $3  }
0xc0: {  	[dreg:$0x1] =	wrdreg $0xFFFFFFFF  }
0xc1: {  	_ =	task.clear_ibuf [dreg:s7], $0x2FFFF;
	_ =	strace $0x9FFFFFFF  }
0xc2: {  	(tm) =	ssettm $0x7FFFFFFF  }
0xc3: {  	_ =	shalt  }
tec
execute0_lowered:
.L_overlay_start_1:
0x0: {  	(tag) =	ssettag $0x1  }
0x1: {  	s3 =	rddreg [dreg:$0x0]  }
0x2: {  	s5 =	rddreg [dreg:$0x1];
	s4 =	srdreg.scid  }
0x3: {  	s2 =	simm.s32 $0x0;
	s1 =	stileid.u32;
	s11 =	simm.s32 $0x400  }
0x4: {  	s12 =	simm.s32 $0x80;
	s13 =	simm.s32 $0x600;
	s14 =	simm.s32 $0x8600  }
0x5: {  	s15 =	simm.s32 $0x4600;
	s16 =	simm.s32 $0x280;
	s17 =	simm.s32 $0xC600  }
0x6: {  	s18 =	simm.s32 $0x1;
	s19 =	simm.s32 $0x10600;
	s20 =	simm.s32 $0x100  }
0x7: {  	s21 =	simm.s32 $0x300;
	s22 =	simm.s32 $0x180;
	s23 =	simm.s32 $0x380  }
0x8: {  	s24 =	simm.s32 $0x10800;
	s25 =	simm.s32 $0x0;
	s4 =	sand.u32 $0x1, s4  }
0x9: {  	[smem:$0x7FF] =	sst s2;
	s7 =	sshll.u32 s1, $0x7;
	s6 =	sshll.u32 s4, $0x6  }
0xa: {  	_ =	strace $0x8000004D;
	s4 =	ssub.s32 $0x2, s4;
	s8 =	sor.u32 s6, s7  }
0xb: {  	s9 =	sshrl.u32 s4, $0x1;
	s10 =	sadd.s32 s5, s6;
	s8 =	sadd.s32 s8, s3  }
0xc: {  	s3 =	sadd.s32 $0x4E00, s3;
	s9 =	ssub.s32 s4, s9;
	s7 =	sadd.s32 s7, s10  }
0xd: {  	s10 =	simm.s32 $0x200;
	s4 =	sadd.s32 $0x1400, s8;
	s5 =	sadd.s32 $0xC00, s8  }
0xe: {  	vm0 =	vcmask $0x3F3C;
	s6 =	sadd.s32 $0x400, s8;
	s8 =	smax.u32 s9, $0x1;
	s9 =	simm.s32 $0x2  }
.LBB2_1:
0xf: {  	[tilespmem:s2], [sflag:$0x2] =	stream.linear.gather [hbm4b:s4+s2], $0x200, $0x38;
	[tilespmem:$0x10A00] =	vst v63  }
0x10: {  	_ =	swait.ge [sflag:s9], $0x200  }
0x11: {  	[sflag:s9] =	ssyncset.done $0x0  }
0x12: {  	[sflag:s9] =	ssyncadd.s32 $0xFFFFFE00  }
0x13: {  	[tilespmem:s10], [sflag:$0x2] =	stream.linear.gather [hbm4b:s5+s2], $0x200, $0x38;
	[tilespmem:$0x10A00] =	vst v63  }
0x14: {  	_ =	swait.ge [sflag:s9], $0x200  }
0x15: {  	[sflag:s9] =	ssyncset.done $0x0  }
0x16: {  	[sflag:s9] =	ssyncadd.s32 $0xFFFFFE00  }
0x17: {  	[tilespmem:s11], [sflag:$0x2] =	stream.linear.gather [hbm4b:s6+s2], $0x200, $0x38;
	[tilespmem:$0x10A00] =	vst v63  }
0x18: {  	_ =	swait.ge [sflag:s9], $0x200  }
0x19: {  	[sflag:s9] =	ssyncset.done $0x0  }
0x1a: {  	[sflag:s9] =	ssyncadd.s32 $0xFFFFFE00  }
0x1b: {  	[tilespmem:s13], [sflag:$0x1] =	stream.indirect.gather [hbm4b:s3+s12], $0x80, s2, s12, $0xb8;
	[tilespmem:$0x10A00] =	vst v63  }
0x1c: {  	_ = 	snop  }
0x1d: {  	[tilespmem:s14], [sflag:$0x1] =	stream.indirect.gather [hbm4b:s3+s12], $0x80, s10, s12, $0xb8;
	[tilespmem:$0x10A00] =	vst v63  }
0x1e: {  	_ = 	snop  }
0x1f: {  	[tilespmem:s15], [sflag:$0x1] =	stream.indirect.gather [hbm4b:s3+s12], $0x80, s12, s12, $0xb8;
	[tilespmem:$0x10A00] =	vst v63  }
0x20: {  	_ = 	snop  }
0x21: {  	[tilespmem:s17], [sflag:$0x1] =	stream.indirect.gather [hbm4b:s3+s12], $0x80, s16, s12, $0xb8;
	[tilespmem:$0x10A00] =	vst v63  }
0x22: {  	_ =	swait.ge [sflag:s18], $0x4000  }
0x23: {  	[sflag:s18] =	ssyncset.done $0x0  }
0x24: {  	[sflag:s18] =	ssyncadd.s32 $0xFFFFC000  }
0x25: {  	_ =	swait.ge [sflag:s18], $0x4000  }
0x26: {  	[sflag:s18] =	ssyncset.done $0x0  }
0x27: {  	s26 =	simm.s32 $0x8610;
	[sflag:s18] =	ssyncadd.s32 $0xFFFFC000  }
0x28: {  	s28 =	simm.s32 $0x610;
	v0 =	vld [tilespmem:s26+$0xFFFFFFF0]  }
0x29: {  	v1 =	vld [tilespmem:s28+$0xFFFFFFF0]  }
0x2a: {  	v2 =	vld [tilespmem:s28+$0x0]  }
0x2b: {  	s30 =	simm.s32 $0x1;
	s29 =	simm.s32 $0x0;
	v3 =	vld [tilespmem:s26+$0x0]  }
.LBB2_2:
0x2c: {  	p0 =	sne.s32 s30, $0x7F;
	_ =	sdelay $0x3  }
0x2d: {  	v0 =	vmul.f32 v0, v1;
	v1 =	vmul.f32 v3, v2;
	_ =	sdelay $0x1  }
0x2e: {  	v0 =	vadd.f32 v1, v0;
	_ =	sdelay $0x1  }
0x2f: {  	(xrf2) =	vadd.scan.msk.f32 $0xffff, v0;
	_ =	sdelay $0x5  }
0x30: {  	v0 =	vmov s29;
	s29 =	smov.u32 s30;
	_ =	sdelay $0x3  }
0x31: {  	v1, _, _ =	vpop (xrf2)  }
.Ltmp0:
0x32: {  	s26 =	sadd.s32 $0x80, s26;
	[tilespmem:v0+s19+$0x0] =	vst.idx.msk vm0, v1;
	(pc) =	sbr.rel @p0 .LBB2_2-.Ltmp0, $4  }
0x33: {  	s28 =	sadd.s32 $0x80, s28;
	v0 =	vld [tilespmem:s26+$0xFFFFFFF0]  }
0x34: {  	v1 =	vld [tilespmem:s28+$0xFFFFFFF0]  }
0x35: {  	v2 =	vld [tilespmem:s28+$0x0]  }
0x36: {  	s30 =	sadd.s32 $0x1, s30;
	v3 =	vld [tilespmem:s26+$0x0]  }
0x37: {  	_ =	sdelay $0x3  }
0x38: {  	v0 =	vmul.f32 v0, v1;
	v1 =	vmul.f32 v3, v2;
	_ =	sdelay $0x1  }
0x39: {  	v0 =	vadd.f32 v1, v0;
	_ =	sdelay $0x1  }
0x3a: {  	(xrf2) =	vadd.scan.msk.f32 $0xffff, v0;
	_ =	sdelay $0x5  }
0x3b: {  	v0 =	vmov s29;
	_ =	sdelay $0x3  }
0x3c: {  	v1, _, _ =	vpop (xrf2)  }
0x3d: {  	s26 =	simm.s32 $0x80;
	[tilespmem:v0+s19+$0x0] =	vst.idx.msk vm0, v1  }
0x3e: {  	[tilespmem:s13], [sflag:$0x1] =	stream.indirect.gather [hbm4b:s3+s26], $0x80, s20, s26, $0xb8;
	[tilespmem:$0x10A00] =	vst v63  }
0x3f: {  	_ = 	snop  }
0x40: {  	[tilespmem:s14], [sflag:$0x1] =	stream.indirect.gather [hbm4b:s3+s26], $0x80, s21, s26, $0xb8;
	[tilespmem:$0x10A00] =	vst v63  }
0x41: {  	_ =	swait.ge [sflag:s18], $0x4000  }
0x42: {  	[sflag:s18] =	ssyncset.done $0x0  }
0x43: {  	[sflag:s18] =	ssyncadd.s32 $0xFFFFC000  }
0x44: {  	_ =	swait.ge [sflag:s18], $0x4000  }
0x45: {  	[sflag:s18] =	ssyncset.done $0x0  }
0x46: {  	s28 =	simm.s32 $0xC610;
	[sflag:s18] =	ssyncadd.s32 $0xFFFFC000  }
0x47: {  	s29 =	simm.s32 $0x4610;
	v0 =	vld [tilespmem:s28+$0xFFFFFFF0]  }
0x48: {  	v1 =	vld [tilespmem:s29+$0xFFFFFFF0]  }
0x49: {  	v2 =	vld [tilespmem:s29+$0x0]  }
0x4a: {  	s30 =	simm.s32 $0x81;
	v3 =	vld [tilespmem:s28+$0x0]  }
.LBB2_4:
0x4b: {  	p0 =	sne.s32 s30, $0xFF;
	_ =	sdelay $0x3  }
0x4c: {  	v0 =	vmul.f32 v0, v1;
	v1 =	vmul.f32 v3, v2;
	_ =	sdelay $0x1  }
0x4d: {  	v0 =	vadd.f32 v1, v0;
	_ =	sdelay $0x1  }
0x4e: {  	(xrf2) =	vadd.scan.msk.f32 $0xffff, v0;
	_ =	sdelay $0x5  }
0x4f: {  	v0 =	vmov s26;
	s26 =	smov.u32 s30;
	_ =	sdelay $0x3  }
0x50: {  	v1, _, _ =	vpop (xrf2)  }
.Ltmp1:
0x51: {  	s28 =	sadd.s32 $0x80, s28;
	[tilespmem:v0+s19+$0x0] =	vst.idx.msk vm0, v1;
	(pc) =	sbr.rel @p0 .LBB2_4-.Ltmp1, $4  }
0x52: {  	s29 =	sadd.s32 $0x80, s29;
	v0 =	vld [tilespmem:s28+$0xFFFFFFF0]  }
0x53: {  	v1 =	vld [tilespmem:s29+$0xFFFFFFF0]  }
0x54: {  	v2 =	vld [tilespmem:s29+$0x0]  }
0x55: {  	s30 =	sadd.s32 $0x1, s30;
	v3 =	vld [tilespmem:s28+$0x0]  }
0x56: {  	_ =	sdelay $0x3  }
0x57: {  	v0 =	vmul.f32 v0, v1;
	v1 =	vmul.f32 v3, v2;
	_ =	sdelay $0x1  }
0x58: {  	v0 =	vadd.f32 v1, v0;
	_ =	sdelay $0x1  }
0x59: {  	(xrf2) =	vadd.scan.msk.f32 $0xffff, v0;
	_ =	sdelay $0x5  }
0x5a: {  	v0 =	vmov s26;
	_ =	sdelay $0x3  }
0x5b: {  	v1, _, _ =	vpop (xrf2)  }
0x5c: {  	[tilespmem:v0+s19+$0x0] =	vst.idx.msk vm0, v1  }
0x5d: {  	[tilespmem:s15], [sflag:$0x1] =	stream.indirect.gather [hbm4b:s3+s12], $0x80, s22, s12, $0xb8;
	[tilespmem:$0x10A00] =	vst v63  }
0x5e: {  	_ = 	snop  }
0x5f: {  	[tilespmem:s17], [sflag:$0x1] =	stream.indirect.gather [hbm4b:s3+s12], $0x80, s23, s12, $0xb8;
	[tilespmem:$0x10A00] =	vst v63  }
0x60: {  	_ =	swait.ge [sflag:s18], $0x4000  }
0x61: {  	[sflag:s18] =	ssyncset.done $0x0  }
0x62: {  	[sflag:s18] =	ssyncadd.s32 $0xFFFFC000  }
0x63: {  	_ =	swait.ge [sflag:s18], $0x4000  }
0x64: {  	[sflag:s18] =	ssyncset.done $0x0  }
0x65: {  	s26 =	simm.s32 $0x8610;
	[sflag:s18] =	ssyncadd.s32 $0xFFFFC000  }
0x66: {  	s29 =	simm.s32 $0x610;
	v0 =	vld [tilespmem:s26+$0xFFFFFFF0]  }
0x67: {  	v1 =	vld [tilespmem:s29+$0xFFFFFFF0]  }
0x68: {  	v2 =	vld [tilespmem:s29+$0x0]  }
0x69: {  	s28 =	simm.s32 $0x100;
	s30 =	simm.s32 $0x101;
	v3 =	vld [tilespmem:s26+$0x0]  }
.LBB2_6:
0x6a: {  	p0 =	sne.s32 s30, $0x17F;
	_ =	sdelay $0x3  }
0x6b: {  	v0 =	vmul.f32 v0, v1;
	v1 =	vmul.f32 v3, v2;
	_ =	sdelay $0x1  }
0x6c: {  	v0 =	vadd.f32 v1, v0;
	_ =	sdelay $0x1  }
0x6d: {  	(xrf2) =	vadd.scan.msk.f32 $0xffff, v0;
	_ =	sdelay $0x5  }
0x6e: {  	v0 =	vmov s28;
	s28 =	smov.u32 s30;
	_ =	sdelay $0x3  }
0x6f: {  	v1, _, _ =	vpop (xrf2)  }
.Ltmp2:
0x70: {  	s26 =	sadd.s32 $0x80, s26;
	[tilespmem:v0+s19+$0x0] =	vst.idx.msk vm0, v1;
	(pc) =	sbr.rel @p0 .LBB2_6-.Ltmp2, $4  }
0x71: {  	s29 =	sadd.s32 $0x80, s29;
	v0 =	vld [tilespmem:s26+$0xFFFFFFF0]  }
0x72: {  	v1 =	vld [tilespmem:s29+$0xFFFFFFF0]  }
0x73: {  	v2 =	vld [tilespmem:s29+$0x0]  }
0x74: {  	s30 =	sadd.s32 $0x1, s30;
	v3 =	vld [tilespmem:s26+$0x0]  }
0x75: {  	_ =	sdelay $0x3  }
0x76: {  	v0 =	vmul.f32 v0, v1;
	v1 =	vmul.f32 v3, v2;
	_ =	sdelay $0x1  }
0x77: {  	v0 =	vadd.f32 v1, v0;
	_ =	sdelay $0x1  }
0x78: {  	(xrf2) =	vadd.scan.msk.f32 $0xffff, v0;
	_ =	sdelay $0x5  }
0x79: {  	v0 =	vmov s28;
	_ =	sdelay $0x3  }
0x7a: {  	v1, _, _ =	vpop (xrf2)  }
0x7b: {  	[tilespmem:v0+s19+$0x0] =	vst.idx.msk vm0, v1  }
0x7c: {  	_ =	swait.ge [sflag:s18], $0x4000  }
0x7d: {  	[sflag:s18] =	ssyncset.done $0x0  }
0x7e: {  	[sflag:s18] =	ssyncadd.s32 $0xFFFFC000  }
0x7f: {  	_ =	swait.ge [sflag:s18], $0x4000  }
0x80: {  	[sflag:s18] =	ssyncset.done $0x0  }
0x81: {  	s26 =	simm.s32 $0xC610;
	[sflag:s18] =	ssyncadd.s32 $0xFFFFC000  }
0x82: {  	s29 =	simm.s32 $0x4610;
	v0 =	vld [tilespmem:s26+$0xFFFFFFF0]  }
0x83: {  	v1 =	vld [tilespmem:s29+$0xFFFFFFF0]  }
0x84: {  	v2 =	vld [tilespmem:s29+$0x0]  }
0x85: {  	s30 =	simm.s32 $0x181;
	s28 =	simm.s32 $0x180;
	v3 =	vld [tilespmem:s26+$0x0]  }
.LBB2_8:
0x86: {  	p0 =	sne.s32 s30, $0x1FF;
	_ =	sdelay $0x3  }
0x87: {  	v0 =	vmul.f32 v0, v1;
	v1 =	vmul.f32 v3, v2;
	_ =	sdelay $0x1  }
0x88: {  	v0 =	vadd.f32 v1, v0;
	_ =	sdelay $0x1  }
0x89: {  	(xrf2) =	vadd.scan.msk.f32 $0xffff, v0;
	_ =	sdelay $0x5  }
0x8a: {  	v0 =	vmov s28;
	s28 =	smov.u32 s30;
	_ =	sdelay $0x3  }
0x8b: {  	v1, _, _ =	vpop (xrf2)  }
.Ltmp3:
0x8c: {  	s26 =	sadd.s32 $0x80, s26;
	[tilespmem:v0+s19+$0x0] =	vst.idx.msk vm0, v1;
	(pc) =	sbr.rel @p0 .LBB2_8-.Ltmp3, $4  }
0x8d: {  	s29 =	sadd.s32 $0x80, s29;
	v0 =	vld [tilespmem:s26+$0xFFFFFFF0]  }
0x8e: {  	v1 =	vld [tilespmem:s29+$0xFFFFFFF0]  }
0x8f: {  	v2 =	vld [tilespmem:s29+$0x0]  }
0x90: {  	s30 =	sadd.s32 $0x1, s30;
	v3 =	vld [tilespmem:s26+$0x0]  }
0x91: {  	_ =	sdelay $0x3  }
0x92: {  	v0 =	vmul.f32 v0, v1;
	v1 =	vmul.f32 v3, v2;
	_ =	sdelay $0x1  }
0x93: {  	v0 =	vadd.f32 v1, v0;
	_ =	sdelay $0x1  }
0x94: {  	(xrf2) =	vadd.scan.msk.f32 $0xffff, v0;
	_ =	sdelay $0x5  }
0x95: {  	v0 =	vmov s28;
	_ =	sdelay $0x2  }
0x96: {  	s26 =	simm.s32 $0x0  }
0x97: {  	s28 =	sand.u32 $0x600, s26;
	v1, _, _ =	vpop (xrf2)  }
0x98: {  	s29 =	sand.u32 $0x70, s26;
	s26 =	simm.s32 $0x0;
	s28 =	sshrl.u32 s28, $0x2;
	[tilespmem:v0+s19+$0x0] =	vst.idx.msk vm0, v1  }
0x99: {  	s28 =	sor.u32 s29, s28;
	v0 =	vld [tilespmem:s26+$0x10600]  }
0x9a: {  	v1 =	vld [tilespmem:s28+$0x400];
	_ =	sdelay $0x4  }
0x9b: {  	v0 =	vmul.f32 v0, v1;
	_ =	sdelay $0x1  }
0x9c: {  	v0 =	vsub.f32 $0.0e+00, v0;
	_ =	sdelay $0x1  }
0x9d: {  	v0 =	vmul.f32 $1.442695020e+00, v0;
	_ =	sdelay $0x1  }
0x9e: {  	(erf) = vpow2.f32 v0;
	_ =	sdelay $0x8  }
0x9f: {  	v0 =	vpop (erf)  }
0xa0: {  	v0 =	vadd.f32 $1.000000000e+00, v0;
	_ =	sdelay $0x1  }
0xa1: {  	(erf) = vrcp.f32 v0;
	_ =	sdelay $0x8  }
0xa2: {  	s29 =	simm.s32 $0x10;
	s28 =	simm.s32 $0x40;
	v0 =	vpop (erf)  }
0xa3: {  	s30 =	sand.u32 $0x70, s29;
	s29 =	simm.s32 $0x20;
	s31 =	sand.u32 $0x600, s28;
	v0 =	vsub.f32 $0.0e+00, v0  }
.LBB2_10:
0xa4: {  	p0 =	sne.s32 s29, $0x1F0;
	s31 =	sshrl.u32 s31, $0x2;
	s0 =	sshra.s32 s28, $0x2  }
0xa5: {  	s30 =	sor.u32 s30, s31;
	v1 =	vld [tilespmem:s0+$0x10600];
	[tilespmem:s26+$0x10800] =	vst v0;
	s26 =	smov.u32 s0  }
0xa6: {  	v0 =	vld [tilespmem:s30+$0x400];
	_ =	sdelay $0x4  }
0xa7: {  	v0 =	vmul.f32 v1, v0;
	_ =	sdelay $0x1  }
0xa8: {  	v0 =	vsub.f32 $0.0e+00, v0;
	_ =	sdelay $0x1  }
0xa9: {  	v0 =	vmul.f32 $1.442695020e+00, v0;
	_ =	sdelay $0x1  }
0xaa: {  	(erf) = vpow2.f32 v0;
	_ =	sdelay $0x8  }
0xab: {  	v0 =	vpop (erf)  }
0xac: {  	v0 =	vadd.f32 $1.000000000e+00, v0;
	_ =	sdelay $0x1  }
0xad: {  	(erf) = vrcp.f32 v0;
	_ =	sdelay $0x5  }
.Ltmp4:
0xae: {  	(pc) =	sbr.rel @p0 .LBB2_10-.Ltmp4, $3  }
0xaf: {  	_ =	sdelay $0x1  }
0xb0: {  	s28 =	sadd.s32 $0x40, s28;
	v0 =	vpop (erf)  }
0xb1: {  	s31 =	sand.u32 $0x600, s28;
	s30 =	sand.u32 $0x70, s29;
	s29 =	sadd.s32 $0x10, s29;
	v0 =	vsub.f32 $0.0e+00, v0  }
0xb2: {  	s0 =	sshra.s32 s28, $0x2;
	s31 =	sshrl.u32 s31, $0x2  }
0xb3: {  	v1 =	vld [tilespmem:s0+$0x10600];
	s28 =	sor.u32 s30, s31;
	[tilespmem:s26+$0x10800] =	vst v0  }
0xb4: {  	v0 =	vld [tilespmem:s28+$0x400];
	_ =	sdelay $0x4  }
0xb5: {  	v0 =	vmul.f32 v1, v0;
	_ =	sdelay $0x1  }
0xb6: {  	v0 =	vsub.f32 $0.0e+00, v0;
	_ =	sdelay $0x1  }
0xb7: {  	v0 =	vmul.f32 $1.442695020e+00, v0;
	_ =	sdelay $0x1  }
0xb8: {  	(erf) = vpow2.f32 v0;
	_ =	sdelay $0x8  }
0xb9: {  	v0 =	vpop (erf)  }
0xba: {  	v0 =	vadd.f32 $1.000000000e+00, v0;
	_ =	sdelay $0x1  }
0xbb: {  	(erf) = vrcp.f32 v0;
	_ =	sdelay $0x8  }
0xbc: {  	v0 =	vpop (erf)  }
0xbd: {  	s25 =	sadd.s32 $0x1, s25;
	v0 =	vsub.f32 $0.0e+00, v0  }
0xbe: {  	p0 =	sne.s32 s25, s8  }
.Ltmp5:
0xbf: {  	[tilespmem:s0+$0x10800] =	vst v0;
	(pc) =	sbr.rel @p0 .LBB2_1-.Ltmp5, $4  }
0xc0: {  	[hbm4b:s7+s2] =	stream.linear.scatter [tilespmem:s24], [sflag:$0x2], $0x200, $0x38;
	[tilespmem:$0x10A00] =	vst v63  }
0xc1: {  	_ =	swait.ge [sflag:s9], $0x200  }
0xc2: {  	[sflag:s9] =	ssyncset.done $0x0  }
0xc3: {  	[sflag:s9] =	ssyncadd.s32 $0xFFFFFE00  }
0xc4: {  	_ =	sfence.sel $0x180000  }
0xc5: {  	[bflag:$0x0] =	sbarrier.arrive $0xFFFF  }
0xc6: {  	_ =	strace $0x9000004D  }
0xc7: {  	[bflag:$0x2] =	sbarrier.arrive $0xFFFF  }
0xc8: {  	p0 =	sne.s32 s1, $0x0;
	s0 =	rddreg [dreg:$0x2]  }
0xc9: {  	s0 =	sadd.s32 @!p0 $0x100000, s0  }
0xca: {  	[sflag:s0] =	ssyncadd.tile.s32 @!p0 $0x1;
	_ =	shalt  }
.Lfunc_end2:
_tile_overlayer_lowered:
.L_overlay_start_2:
0xcb: {  	(tag) =	ssettag $0x2  }
0xcc: {  	s0 =	rddreg [dreg:$0x0];
	s2 =	stileid.u32  }
0xcd: {  	s1 =	rddreg [dreg:$0x1];
	p0 =	sne.s32 s2, $0x0  }
0xce: {  	s3 =	rddreg [dreg:$0x2];
	[bflag:$0x3] =	sbarrier.arrive $0xFFFF;
	s2 =	simm.s32 @!p0 $0x1C02  }
0xcf: {  	[timem:s3], [sflag:s2] =	dma.local @!p0 [hbm:s0], s1  }
0xd0: {  	s0 =	simm.s32 @!p0 $0x2  }
0xd1: {  	_ =	swait.ge @!p0 [sflag:s0], s1  }
0xd2: {  	s1 =	ssub.s32 @!p0 $0x0, s1;
	[sflag:s0] =	ssyncset.done @!p0 $0x0  }
0xd3: {  	[sflag:s0] =	ssyncadd.s32 @!p0 s1  }
0xd4: {  	[bflag:$0x3] =	sbarrier.arrive $0xFFFF  }
0xd5: {  	_ =	shalt  }

// kernel: kernel.5.cloned.1.call-start
scs
__scs_entry_jumppad:
0x0: {  	(pc) =	sbr.rel $0x88, $3  }
0x1: {  	(tag) =	ssettag $0x0;
	lr =	simm.s32 $0x1  }
0x2: {  	[smem:$0x3F9F] =	sst lr;
	_ =	strace $0xD0000000  }
0x3: {  	_ = 	snop  }
0x4: {  	_ = 	snop  }
0x5: {  	_ = 	snop  }
0x6: {  	_ = 	snop  }
0x7: {  	_ = 	snop  }
__scs_overlays_trampoline_lowered:
0x8: {  	[smem:$0x3FAE] =	sst s0  }
0x9: {  	[smem:$0x3FAF] =	sst s1  }
0xa: {  	[smem:$0x3FB0] =	sst s2  }
0xb: {  	[smem:$0x3FB1] =	sst s3  }
0xc: {  	[smem:$0x3FB2] =	sst s4  }
0xd: {  	[smem:$0x3FB3] =	sst s5  }
0xe: {  	[smem:$0x3FB4] =	sst s6  }
0xf: {  	[smem:$0x3FB5] =	sst s7  }
0x10: {  	[smem:$0x3FB6] =	sst s8  }
0x11: {  	[smem:$0x3FB7] =	sst s9;
	s0 =	simm.s32 @!p0 $0x0  }
0x12: {  	s1 =	sld [smem:$0x3F9D];
	s0 =	simm.s32 @p0 $0x1  }
0x13: {  	[smem:$0x3FB8] =	sst s0;
	s0 =	simm.s32 @!p1 $0x0  }
0x14: {  	s2 =	sld [smem:$0x3F9C];
	s0 =	simm.s32 @p1 $0x1  }
0x15: {  	[smem:$0x3FB9] =	sst s0;
	s0 =	simm.s32 @!p2 $0x0  }
0x16: {  	s3 =	sld [smem:$0x3FDB];
	s0 =	simm.s32 @p2 $0x1  }
0x17: {  	s4 =	simm.s32 $0x1BF5;
	[smem:$0x3FBB] =	sst s0  }
0x18: {  	s0 =	sld [smem:$0x3F9E];
	_ =	swait.ge [sflag:s4], $0x0  }
0x19: {  	s7 =	sld [smem:$0x3F9F]  }
0x1a: {  	s8 =	sadd.s32 $0xFFFFE003, lr  }
0x1b: {  	s9 =	sadd.s32 $0xFFFFFEF7, lr;
	s5 =	simm.s32 $0xFFFFFFFF;
	p2 =	slt.u32 s8, $0xFFFFF086  }
0x1c: {  	p1 =	slt.u32 s9, $0xF7A;
	s5 =	simm.s32 @!p2 $0x0  }
0x1d: {  	s5 =	simm.s32 @p1 $0x1;
	p0 =	seq.s32 s7, s2  }
0x1e: {  	s7 =	smul.u32 @!p0 $0xF7A, s2;
	p2 =	seq.s32 @!p0 s5, $0x0  }
0x1f: {  	s9 =	smul.u32 $0xF7A, s1;
	s8 =	simm.s32 @!p0 $0x1BF5;
	p2 =	por !p2, p0  }
0x20: {  	[sflag:s8] =	ssyncset.s32 @!p0 $0xFFFFF086;
	s6 =	sadd.s32 @!p0 s3, s7;
	s7 =	simm.s32 @!p0 $0x108  }
0x21: {  	s3 =	sadd.s32 s3, s9;
	s6 =	sadd.s32 @!p0 $0x88, s6;
	s7 =	simm.s32 @p2 $0x1082  }
0x22: {  	[simem:s7], [sflag:s8] =	dma.local @!p0 [hbm:s6], $0xF7A  }
0x23: {  	s9 =	sor.u32 $0xD0000000, s2;
	s6 =	simm.s32 $0x108;
	_ =	swait.ge @!p0 [sflag:s8], $0x0  }
0x24: {  	s3 =	sadd.s32 $0x88, s3;
	s6 =	simm.s32 @!p1 $0x1082;
	[sflag:s4] =	ssyncset.s32 $0xFFFFF086  }
0x25: {  	[simem:s6], [sflag:s4] =	dma.local [hbm:s3], $0xF7A  }
0x26: {  	[smem:$0x3F9F] =	sst s1;
	(tag) =	ssettag s2;
	_ =	strace s9  }
0x27: {  	s1 =	sld [smem:$0x3FAF]  }
0x28: {  	s2 =	sld [smem:$0x3FB0]  }
0x29: {  	s4 =	sld [smem:$0x3FB2]  }
0x2a: {  	p0 =	seq.s32 s5, $0x0;
	s5 =	sld [smem:$0x3FB3]  }
0x2b: {  	s6 =	sld [smem:$0x3FB4]  }
0x2c: {  	s7 =	sld [smem:$0x3FB5]  }
0x2d: {  	s3 =	simm.s32 $0x108;
	s8 =	sld [smem:$0x3FB6]  }
0x2e: {  	s3 =	simm.s32 @!p0 $0x1082;
	s9 =	sld [smem:$0x3FB7]  }
0x2f: {  	lr =	sadd.s32 s0, s3;
	s0 =	sld [smem:$0x3FAE]  }
0x30: {  	s3 =	sld [smem:$0x3FB1]  }
0x31: {  	[smem:$0x3FBA] =	sst s10  }
0x32: {  	s10 =	sld [smem:$0x3FB8];
	_ =	sdelay $0x3  }
0x33: {  	p0 =	seq.s32 s10, $0x1;
	s10 =	sld [smem:$0x3FBA];
	_ =	sdelay $0x3  }
0x34: {  	[smem:$0x3FBA] =	sst s10  }
0x35: {  	s10 =	sld [smem:$0x3FB9];
	_ =	sdelay $0x3  }
0x36: {  	p1 =	seq.s32 s10, $0x1;
	s10 =	sld [smem:$0x3FBA];
	_ =	sdelay $0x3  }
0x37: {  	[smem:$0x3FBA] =	sst s10  }
0x38: {  	s10 =	sld [smem:$0x3FBB]  }
0x39: {  	_ = 	snop;
	(pc) =	sbr.ind lr, $3  }
0x3a: {  	_ = 	snop  }
0x3b: {  	_ = 	snop  }
0x3c: {  	p2 =	seq.s32 s10, $0x1;
	s10 =	sld [smem:$0x3FBA]  }
0x3d: {  	_ =	shalt  }
0x3e: {  	_ =	shalt  }
0x3f: {  	_ =	shalt  }
0x40: {  	_ =	shalt  }
0x41: {  	_ =	shalt  }
0x42: {  	_ =	shalt  }
0x43: {  	_ =	shalt  }
0x44: {  	_ =	shalt  }
0x45: {  	_ =	shalt  }
0x46: {  	_ =	shalt  }
0x47: {  	_ =	shalt  }
0x48: {  	_ =	shalt  }
0x49: {  	_ =	shalt  }
0x4a: {  	_ =	shalt  }
0x4b: {  	_ =	shalt  }
0x4c: {  	_ =	shalt  }
0x4d: {  	_ =	shalt  }
0x4e: {  	_ =	shalt  }
0x4f: {  	_ =	shalt  }
0x50: {  	_ =	shalt  }
0x51: {  	_ =	shalt  }
0x52: {  	_ =	shalt  }
0x53: {  	_ =	shalt  }
0x54: {  	_ =	shalt  }
0x55: {  	_ =	shalt  }
0x56: {  	_ =	shalt  }
0x57: {  	_ =	shalt  }
0x58: {  	_ =	shalt  }
0x59: {  	_ =	shalt  }
0x5a: {  	_ =	shalt  }
0x5b: {  	_ =	shalt  }
0x5c: {  	_ =	shalt  }
0x5d: {  	_ =	shalt  }
0x5e: {  	_ =	shalt  }
0x5f: {  	_ =	shalt  }
0x60: {  	_ =	shalt  }
0x61: {  	_ =	shalt  }
0x62: {  	_ =	shalt  }
0x63: {  	_ =	shalt  }
0x64: {  	_ =	shalt  }
0x65: {  	_ =	shalt  }
0x66: {  	_ =	shalt  }
0x67: {  	_ =	shalt  }
0x68: {  	_ =	shalt  }
0x69: {  	_ =	shalt  }
0x6a: {  	_ =	shalt  }
0x6b: {  	_ =	shalt  }
0x6c: {  	_ =	shalt  }
0x6d: {  	_ =	shalt  }
0x6e: {  	_ =	shalt  }
0x6f: {  	_ =	shalt  }
0x70: {  	_ =	shalt  }
0x71: {  	_ =	shalt  }
0x72: {  	_ =	shalt  }
0x73: {  	_ =	shalt  }
0x74: {  	_ =	shalt  }
0x75: {  	_ =	shalt  }
0x76: {  	_ =	shalt  }
0x77: {  	_ =	shalt  }
0x78: {  	_ =	shalt  }
0x79: {  	_ =	shalt  }
0x7a: {  	_ =	shalt  }
0x7b: {  	_ =	shalt  }
0x7c: {  	_ =	shalt  }
0x7d: {  	_ =	shalt  }
0x7e: {  	_ =	shalt  }
0x7f: {  	_ =	shalt  }
0x80: {  	_ =	shalt  }
0x81: {  	_ =	shalt  }
0x82: {  	_ =	shalt  }
0x83: {  	_ =	shalt  }
0x84: {  	_ =	shalt  }
0x85: {  	_ =	shalt  }
0x86: {  	_ =	shalt  }
0x87: {  	_ =	shalt  }
.Lfunc_end0:
.L_simem_size_0:
called_computation_lowered:
.L_overlay_start_0:
0x88: {  	s2 =	sld [smem:$0x3FD9]  }
0x89: {  	s3 =	sld [smem:$0x3FFE];
	_ =	sdelay $0x1  }
0x8a: {  	s1 =	srdreg.scid  }
0x8b: {  	s0 =	sand.u32 $0x1, s1  }
0x8c: {  	s17 =	sshll.u32 s0, $0xA;
	s2 =	sadd.s32 s3, s2  }
0x8d: {  	s2 =	sadd.s32 s2, s17  }
0x8e: {  	[smem:$0x3FC6] =	sst s2  }
0x8f: {  	_ = 	snop  }
0x90: {  	s18 =	sld [smem:$0x3FC8]  }
0x91: {  	s4 =	sld [smem:$0x3FD0];
	(tm) =	ssettm $0x1  }
0x92: {  	s19 =	sld [smem:$0x3FFB];
	_ =	sdelay $0x3  }
0x93: {  	_ =	strace s19  }
0x94: {  	s2 =	sld [smem:$0x3FFC];
	_ =	sdelay $0x3  }
0x95: {  	_ =	strace s2  }
0x96: {  	s2 =	sld [smem:$0x3FFD];
	_ =	sdelay $0x3  }
0x97: {  	_ =	strace s2  }
0x98: {  	_ =	strace $0x8FFFFFFF  }
0x99: {  	s20 =	sld [smem:$0x3FDB];
	_ =	sdelay $0x1  }
0x9a: {  	s5 =	simm.s32 $_scs_section_size  }
0x9b: {  	s6 =	simm.s32 $_size__tile_overlayer_lowered;
	s7 =	simm.s32 $_tile_overlayer_lowered  }
0x9c: {  	s8 =	simm.s32 $0x1BFF;
	s21 =	sshll.u32 s7, $0x1;
	s5 =	sadd.s32 s5, s20  }
0x9d: {  	s22 =	simm.s32 $0x0;
	s6 =	sshll.u32 s6, $0x1;
	s7 =	sadd.s32 s21, s5  }
0x9e: {  	[timem:s22], [sflag:s8] =	dma.local [hbm:s7], s6  }
0x9f: {  	_ =	swait.ge [sflag:s8], s6  }
0xa0: {  	s6 =	ssub.s32 $0x0, s6;
	[sflag:s8] =	ssyncset.done $0x0  }
0xa1: {  	[sflag:s8] =	ssyncadd.s32 s6;
	_ =	sdelay $0x1  }
0xa2: {  	s23 =	simm.s32 $0x1B8B  }
0xa3: {  	_ =	swait.ge [sflag:s23], $0x1  }
0xa4: {  	[sflag:s23] =	ssyncset.done $0x0  }
0xa5: {  	[sflag:s23] =	ssyncadd.s32 $0xFFFFFFFF  }
0xa6: {  	s6 =	sld [smem:$0x0]  }
0xa7: {  	s7 =	sand.u32 $0xFFFFFFFE, s1  }
0xa8: {  	p0 =	sne.s32 s1, s7  }
0xa9: {  	s7 =	sshll.u32 @p0 s7, $0xE  }
0xaa: {  	s7 =	sadd.s32 @p0 $0x11B8D, s7;
	s8 =	sshll.u32 @p0 s6, $0x11  }
0xab: {  	s7 =	sor.u32 @p0 s8, s7  }
0xac: {  	[sflag:s7] =	ssyncadd.remote.s32 @p0 $0x1;
	_ =	sdelay $0x1  }
0xad: {  	s7 =	simm.s32 @p0 $0x1B8D  }
0xae: {  	_ =	swait.eq @p0 [sflag:s7], $0x1  }
0xaf: {  	[sflag:s7] =	ssyncadd.s32 @p0 $0xFFFFFFFF  }
0xb0: {  	s8 =	sshll.u32 @!p0 s1, $0xE  }
0xb1: {  	s8 =	sor.u32 @!p0 $0x4000, s8;
	s7 =	simm.s32 @!p0 $0x1B8D  }
0xb2: {  	s6 =	sshll.u32 @!p0 s6, $0x11;
	s8 =	sadd.s32 @!p0 $0x11B8D, s8;
	_ =	swait.eq @!p0 [sflag:s7], $0x1  }
0xb3: {  	s6 =	sor.u32 @!p0 s6, s8;
	[sflag:s7] =	ssyncadd.s32 @!p0 $0xFFFFFFFF  }
0xb4: {  	s25 =	simm.s32 $0x1B8E;
	s24 =	sld [smem:$0x3FFE];
	[sflag:s6] =	ssyncadd.remote.s32 @!p0 $0x1  }
0xb5: {  	s26 =	simm.s32 $execute0_lowered;
	[smem:$0x3FD2] =	sst s25  }
0xb6: {  	s7 =	sshll.u32 s26, $0x1;
	_ =	strace $0x80000049;
	[dreg:$0x1] =	wrdreg $0xFFFFFFFF  }
0xb7: {  	s28 =	simm.s32 $_size_execute0_lowered;
	s5 =	sadd.s32 s5, s7;
	[dreg:$0x0] =	wrdreg $0x0  }
0xb8: {  	s7 =	sshll.u32 s28, $0x1;
	[dreg:$0x2] =	wrdreg s5  }
0xb9: {  	[dreg:$0x3] =	wrdreg s7  }
0xba: {  	[dreg:$0x4] =	wrdreg $0xC0  }
0xbb: {  	_ =	task [dreg:s22], $0x5FFFF  }
0xbc: {  	[dreg:$0x1] =	wrdreg $0xFFFFFFFF  }
0xbd: {  	[dreg:$0x0] =	wrdreg $0x60  }
0xbe: {  	[dreg:$0x2] =	wrdreg s24  }
0xbf: {  	[dreg:$0x3] =	wrdreg s4  }
0xc0: {  	[dreg:$0x4] =	wrdreg s18  }
0xc1: {  	[dreg:$0x5] =	wrdreg $0x9  }
0xc2: {  	_ =	task.clear_ibuf [dreg:s22], $0x6FFFF;
	_ =	strace $0x90000049  }
0xc3: {  	s29 =	simm.s32 $0x9;
	_ =	strace $0x8000004B  }
0xc4: {  	_ =	swait.ge [sflag:s29], $0x1  }
0xc5: {  	[sflag:s29] =	ssyncadd.s32 $0xFFFFFFFF  }
0xc6: {  	_ =	strace $0x9000004B  }
0xc7: {  	_ =	sfence  }
0xc8: {  	s30 =	sld [smem:$0x0];
	_ =	sdelay $0x2  }
0xc9: {  	s31 =	sshll.u32 s1, $0xD;
	s1 =	sshrl.u32 s1, $0x2  }
0xca: {  	s4 =	sand.u32 $0x4000, s31;
	s1 =	sadd.s32 s1, s30  }
0xcb: {  	s0 =	sor.u32 s4, s0;
	s1 =	sshll.u32 s1, $0x11  }
0xcc: {  	s0 =	sor.u32 s1, s0  }
0xcd: {  	s0 =	sadd.s32 $0x8F2B, s0  }
0xce: {  	[sflag:s0] =	ssyncadd.remote.s32 $0x1  }
0xcf: {  	_ =	sfence.sel $0xFFFF  }
0xd0: {  	[dreg:$0x0] =	wrdreg $0xFFFFFFFF;
	(pc) =	sbr.abs _section_cstart, $3  }
0xd1: {  	[dreg:$0x1] =	wrdreg $0xFFFFFFFF  }
0xd2: {  	_ =	task.clear_ibuf [dreg:s22], $0x2FFFF;
	_ =	strace $0x9FFFFFFF  }
0xd3: {  	(tm) =	ssettm $0x7FFFFFFF  }
tec
execute0_lowered:
.L_overlay_start_1:
0x0: {  	(tag) =	ssettag $0x1  }
0x1: {  	v0 =	vimm.s32 $0x2380;
	vm0 =	vcmask $0x300;
	v1 =	vimm.s32 $0x6380  }
0x2: {  	s0 =	rddreg [dreg:$0x0];
	vm1 =	vcmask $0x704;
	v0 =	vsel vm0, $0x0, v0;
	v1 =	vsel vm0, $0x4000, v1  }
0x3: {  	s2 =	rddreg [dreg:$0x2];
	vm15 =	vcmask $0xB08;
	v0 =	vsel vm1, $0x80, v0;
	v1 =	vsel vm1, $0x4080, v1  }
0x4: {  	s1 =	srdreg.scid;
	s8 =	stileid.u32;
	vm4 =	vcmask $0xF0C;
	s4 =	simm.s32 $0x0;
	v0 =	vsel vm15, $0x100, v0;
	v1 =	vsel vm15, $0x4100, v1  }
0x5: {  	vm5 =	vcmask $0x1310;
	s14 =	simm.s32 $0x580;
	s15 =	simm.s32 $0x3;
	s16 =	simm.s32 $0x2000;
	v0 =	vsel vm4, $0x180, v0;
	v1 =	vsel vm4, $0x4180, v1  }
0x6: {  	vm6 =	vcmask $0x1714;
	s17 =	simm.s32 $0x7A1400;
	s18 =	simm.s32 $0x600;
	s19 =	simm.s32 $0x1;
	v0 =	vsel vm5, $0x200, v0;
	v1 =	vsel vm5, $0x4200, v1  }
0x7: {  	vm7 =	vcmask $0x1B18;
	s20 =	simm.s32 $0x2;
	s1 =	sand.u32 $0x1, s1;
	s3 =	sshll.u32 s8, $0x1;
	v0 =	vsel vm6, $0x280, v0;
	v1 =	vsel vm6, $0x4280, v1  }
0x8: {  	vm8 =	vcmask $0x1F1C;
	s21 =	simm.s32 $0x0;
	[smem:$0x7FF] =	sst s4;
	s5 =	sor.u32 s1, s3;
	v0 =	vsel vm7, $0x300, v0;
	v1 =	vsel vm7, $0x4300, v1  }
0x9: {  	vm9 =	vcmask $0x2320;
	s6 =	sadd.s32 $0x2C00, s0;
	s7 =	sadd.s32 $0x3E00, s0;
	s3 =	smul.u32 $0x1E, s5;
	v0 =	vsel vm8, $0x380, v0;
	v1 =	vsel vm8, $0x4380, v1  }
0xa: {  	vm10 =	vcmask $0x2724;
	p0 =	slt.u32 s8, $0x8;
	s9 =	sadd.s32 $0x4E00, s0;
	s10 =	smul.u32 $0x1F, s5;
	v0 =	vsel vm9, $0x2000, v0;
	v1 =	vsel vm9, $0x6000, v1  }
0xb: {  	vm11 =	vcmask $0x2B28;
	_ =	strace $0x8000004A;
	s29 =	ssub.s32 $0x2, s1;
	s12 =	smul.u32 $0x500, s5;
	v0 =	vsel vm10, $0x2080, v0;
	v1 =	vsel vm10, $0x6080, v1  }
.Ltmp0:
0xc: {  	vm12 =	vcmask $0x2F2C;
	s1 =	sshrl.u32 s29, $0x1;
	s8 =	sadd.s32 $0x10, s3;
	v0 =	vsel vm11, $0x2100, v0;
	v1 =	vsel vm11, $0x6100, v1;
	(pc) =	sbr.rel .LBB2_1-.Ltmp0, $4  }
0xd: {  	vm13 =	vcmask $0x3330;
	p4 =	sne.s32 s5, $0x1F;
	s0 =	ssub.s32 s29, s1;
	s8 =	smov.u32 @p0 s10;
	v0 =	vsel vm12, $0x2180, v0;
	v1 =	vsel vm12, $0x6180, v1  }
0xe: {  	vm14 =	vcmask $0x3734;
	s13 =	smax.u32 s0, $0x1;
	s0 =	simm.s32 @!p4 $0x0;
	s30 =	sshll.u32 s8, $0xA;
	v0 =	vsel vm13, $0x2200, v0;
	v1 =	vsel vm13, $0x6200, v1  }
0xf: {  	vm15 =	vcmask $0x3B38;
	s10 =	simm.s32 $0x1F;
	s0 =	simm.s32 @p4 $0x1;
	s31 =	sand.u32 $0x1FFFFC00, s30;
	v0 =	vsel vm14, $0x2280, v0;
	v1 =	vsel vm14, $0x6280, v1  }
0x10: {  	s10 =	simm.s32 @!p0 $0x1E;
	[smem:$0x7FD] =	sst s0;
	s11 =	sadd.s32 s2, s31;
	v0 =	vsel vm15, $0x2300, v0;
	v1 =	vsel vm15, $0x6300, v1  }
.LBB2_17:
0x11: {  	s21 =	sadd.s32 $0x1, s21  }
0x12: {  	p0 =	sne.s32 s21, s13  }
.Ltmp1:
0x13: {  	_ = 	snop;
	(pc) =	sbr.rel @!p0 .LBB2_18-.Ltmp1, $1  }
0x14: {  	_ =	sdelay $0x3  }
.LBB2_1:
0x15: {  	s0 =	rddreg [dreg:$0x1]  }
0x16: {  	[tilespmem:s14], [sflag:$0x3] =	stream.linear.gather [hbm4b:s0+s4], $0x80, $0x38;
	[tilespmem:$0x18600] =	vst v63  }
0x17: {  	_ =	swait.ge [sflag:s15], $0x80  }
0x18: {  	[sflag:s15] =	ssyncset.done $0x0  }
0x19: {  	[sflag:s15] =	ssyncadd.s32 $0xFFFFFF80  }
0x1a: {  	v2 =	vld [tilespmem:s5+$0x580];
	_ =	sdelay $0x4  }
0x1b: {  	(v2sf) =	vpush v2, $0x0;
	_ =	sdelay $0x3  }
0x1c: {  	(v2sf) =	vpush v2, $0x1;
	_ =	sdelay $0xa  }
0x1d: {  	s31 =	spop (v2sf)  }
0x1e: {  	s1 =	sshrl.u32 s31, $0x3  }
0x1f: {  	s29 =	simm.s32 $0x0;
	s22 =	simm.s32 $0x0;
	s1 =	sadd.s32 s6, s1  }
0x20: {  	[tilespmem:s4], [sflag:$0x3] =	stream.linear.gather [hbm4b:s1+s4], $0x520, $0x38;
	[tilespmem:$0x18600] =	vst v63  }
.Ltmp2:
0x21: {  	s30 =	simm.s32 $0x0;
	s3 =	spop (v2sf);
	(pc) =	sbr.rel .LBB2_2-.Ltmp2, $4  }
0x22: {  	s25 =	sand.u32 $0x7, s31;
	s23 =	ssub.s32 s3, s31;
	_ =	swait.ge [sflag:s15], $0x520  }
0x23: {  	s24 =	sshll.u32 s25, $0x2;
	p1 =	slt.s32 s23, $0x500;
	[sflag:s15] =	ssyncset.done $0x0  }
0x24: {  	s28 =	sadd.s32 $0x1, s25;
	s23 =	simm.s32 @!p1 $0x500;
	[sflag:s15] =	ssyncadd.s32 $0xFFFFFAE0  }
0x25: {  	v2 =	vmov s25;
	[tilespmem:s18], [sflag:$0x1] =	stream.strided.gather [hbm4b:s11+s16], $0x8000, s17, s16, $0x38;
	[tilespmem:$0x18600] =	vst v63  }
.LBB2_3:
0x26: {  	s22 =	smov.u32 @p1 s22  }
.LBB2_7:
0x27: {  	s0 =	ssub.s32 s22, s29  }
0x28: {  	p1 =	slt.s32 s0, $0x80  }
0x29: {  	s0 =	sshll.u32 @!p1 s29, $0x7;
	s3 =	sadd.s32 @!p1 s12, s29  }
0x2a: {  	s0 =	sand.u32 @!p1 $0x4000, s0;
	s3 =	sshll.u32 @!p1 s3, $0x4  }
0x2b: {  	s26 =	simm.s32 @!p1 $0x0;
	s0 =	sor.u32 @!p1 $0x10600, s0;
	s3 =	sadd.s32 @!p1 s9, s3  }
0x2c: {  	[hbm4b:s3+s26] =	stream.linear.scatter @!p1 [tilespmem:s0], [sflag:$0x2], $0x4000, $0x38;
	[tilespmem:$0x18600] =	vst v63  }
0x2d: {  	s26 =	sadd.s32 @!p1 $0x80, s29  }
0x2e: {  	s0 =	ssub.s32 @!p1 s22, s26  }
0x2f: {  	p2 =	slt.s32 @!p1 s0, $0x80  }
0x30: {  	p3 =	por p2, p1  }
0x31: {  	s0 =	sshll.u32 @!p3 s26, $0x7;
	s3 =	sadd.s32 @!p3 s12, s26  }
0x32: {  	s0 =	sand.u32 @!p3 $0x4000, s0;
	s3 =	sshll.u32 @!p3 s3, $0x4  }
0x33: {  	s30 =	simm.s32 @!p3 $0x0;
	s0 =	sor.u32 @!p3 $0x10600, s0;
	s3 =	sadd.s32 @!p3 s9, s3  }
0x34: {  	[hbm4b:s3+s30] =	stream.linear.scatter @!p3 [tilespmem:s0], [sflag:$0x2], $0x4000, $0x38;
	[tilespmem:$0x18600] =	vst v63  }
0x35: {  	p2 =	por !p2, p1;
	s0 =	sadd.s32 @!p3 $0x100, s29  }
0x36: {  	s26 =	smov.u32 @p2 s0  }
0x37: {  	s26 =	smov.u32 @p1 s29;
	p1 =	sne.s32 s1, s10  }
.Ltmp3:
0x38: {  	_ = 	snop;
	(pc) =	sbr.rel @!p1 .LBB2_8-.Ltmp3, $2  }
0x39: {  	_ =	sdelay $0x2  }
0x3a: {  	s30 =	smov.u32 s1;
	s29 =	smov.u32 s26  }
.LBB2_2:
0x3b: {  	s1 =	sadd.s32 $0x1, s30  }
0x3c: {  	p1 =	sge.u32 s1, s10  }
0x3d: {  	s0 =	sshll.u32 @!p1 s1, $0xF;
	s3 =	sadd.s32 @!p1 s8, s1  }
0x3e: {  	s26 =	simm.s32 @!p1 $0x2000;
	s0 =	sand.u32 @!p1 $0x8000, s0;
	s3 =	sshll.u32 @!p1 s3, $0xA  }
0x3f: {  	s31 =	simm.s32 @!p1 $0x7A1400;
	s0 =	sor.u32 @!p1 $0x600, s0;
	s3 =	sadd.s32 @!p1 s2, s3  }
0x40: {  	[tilespmem:s0], [sflag:$0x1] =	stream.strided.gather @!p1 [hbm4b:s3+s26], $0x8000, s31, s26, $0x38;
	[tilespmem:$0x18600] =	vst v63  }
0x41: {  	_ =	swait.ge [sflag:s19], $0x8000  }
0x42: {  	[sflag:s19] =	ssyncset.done $0x0  }
0x43: {  	[sflag:s19] =	ssyncadd.s32 $0xFFFF8000  }
0x44: {  	v3 =	vld.idx.msk [tilespmem:v2+s22+$0x0 ss:$0x1], $0xffff;
	_ =	sdelay $0x4  }
0x45: {  	(v2sf) =	vpush v3, $0x0;
	_ =	sdelay $0xc  }
0x46: {  	s26 =	sadd.s32 s8, s30  }
0x47: {  	s26 =	sshll.u32 s26, $0xA  }
0x48: {  	p1 =	sge.s32 s22, s23;
	s31 =	sadd.s32 $0x400, s26;
	s0 =	spop (v2sf)  }
0x49: {  	p2 =	sge.s32 @!p1 s0, s31  }
0x4a: {  	p2 =	por p1, p2  }
.Ltmp4:
0x4b: {  	_ = 	snop;
	(pc) =	sbr.rel @p2 .LBB2_3-.Ltmp4, $1  }
0x4c: {  	_ =	sdelay $0x3  }
0x4d: {  	s3 =	sand.u32 $0x1, s30;
	s30 =	sshll.u32 s22, $0x2  }
0x4e: {  	s3 =	sshll.u32 s3, $0xF;
	s30 =	sshra.s32 s30, $0x2  }
0x4f: {  	v3 =	vor.u32 s3, v0;
	v4 =	vor.u32 s3, v1;
	s30 =	sadd.s32 s30, s28;
	s3 =	sshll.u32 s22, $0x7  }
.LBB2_5:
0x50: {  	s0 =	ssub.s32 s0, s26  }
0x51: {  	v5 =	vmov s0  }
0x52: {  	v6 =	vand.u32 $0x7F, v5;
	v5 =	vshll.u32 v5, $0x3  }
0x53: {  	v5 =	vand.u32 $0xFFFFFC00, v5;
	v7 =	vor.u32 v6, v3  }
0x54: {  	v6 =	vor.u32 v6, v4;
	v7 =	vadd.s32 v5, v7  }
0x55: {  	v5 =	vadd.s32 v5, v6;
	_ =	sdelay $0x3  }
0x56: {  	v6 =	vld.idx.msk [tilespmem:v7+s18+$0x0], $0xffff  }
0x57: {  	v5 =	vld.idx.msk [tilespmem:v5+s18+$0x0], $0xffff;
	_ =	sdelay $0x2  }
0x58: {  	s0 =	sand.u32 $0x7F80, s3  }
0x59: {  	[tilespmem:s0+$0x10600] =	vst v6  }
0x5a: {  	[tilespmem:s0+$0x10610] =	vst v5  }
0x5b: {  	v5 =	vld [tilespmem:s30+$0x0];
	_ =	sdelay $0x4  }
0x5c: {  	(v2sf) =	vpush v5, $0x0;
	_ =	sdelay $0xd  }
0x5d: {  	s22 =	sadd.s32 $0x1, s22  }
0x5e: {  	p1 =	sge.s32 s22, s23;
	s0 =	spop (v2sf)  }
0x5f: {  	p2 =	slt.s32 @!p1 s0, s31  }
0x60: {  	p2 =	por p1, !p2  }
.Ltmp5:
0x61: {  	_ = 	snop;
	(pc) =	sbr.rel @!p2 .LBB2_5-.Ltmp5, $2  }
0x62: {  	_ =	sdelay $0x2  }
0x63: {  	s3 =	sadd.s32 $0x80, s3;
	s30 =	sadd.s32 $0x1, s30  }
.Ltmp6:
0x64: {  	(pc) =	sbr.rel .LBB2_7-.Ltmp6, $2  }
0x65: {  	_ =	sdelay $0x2  }
0x66: {  	s22 =	smov.u32 @p1 s22  }
.LBB2_8:
.Ltmp7:
0x67: {  	(pc) =	sbr.rel @p4 .LBB2_15-.Ltmp7, $1  }
0x68: {  	_ =	sdelay $0x3  }
0x69: {  	[tilespmem:s18], [sflag:$0x3] =	stream.linear.gather [hbm4b:s7+s4], $0x8000, $0x38;
	[tilespmem:$0x18600] =	vst v63  }
0x6a: {  	_ =	swait.ge [sflag:s15], $0x8000  }
0x6b: {  	[sflag:s15] =	ssyncset.done $0x0  }
0x6c: {  	s0 =	sadd.s32 s22, s25;
	[sflag:s15] =	ssyncadd.s32 $0xFFFF8000  }
0x6d: {  	v2 =	vld [tilespmem:s0+$0x0];
	_ =	sdelay $0x4  }
0x6e: {  	(v2sf) =	vpush v2, $0x0;
	_ =	sdelay $0xe  }
0x6f: {  	p1 =	sge.s32 s22, s23;
	s0 =	spop (v2sf)  }
0x70: {  	p2 =	sgt.s32 @!p1 s0, $0xF4240  }
0x71: {  	p2 =	por p1, p2  }
.Ltmp8:
0x72: {  	_ = 	snop;
	(pc) =	sbr.rel @p2 .LBB2_10-.Ltmp8, $1  }
0x73: {  	_ =	sdelay $0x3  }
0x74: {  	s1 =	sshll.u32 s22, $0x2  }
0x75: {  	s3 =	sshrl.u32 s24, $0x2;
	s1 =	sshra.s32 s1, $0x2  }
0x76: {  	s1 =	sadd.s32 s1, s3  }
0x77: {  	s3 =	sshll.u32 s22, $0x7;
	s1 =	sadd.s32 $0x1, s1  }
.LBB2_12:
0x78: {  	s0 =	sadd.s32 $0xFFF0C000, s0  }
0x79: {  	v2 =	vmov s0  }
0x7a: {  	v3 =	vshll.u32 v2, $0x3  }
0x7b: {  	v2 =	vand.u32 $0x7F, v2;
	v3 =	vand.u32 $0xFFFFFC00, v3  }
0x7c: {  	v2 =	vor.u32 v2, v3  }
0x7d: {  	v3 =	vadd.s32 v0, v2  }
0x7e: {  	v2 =	vadd.s32 v1, v2;
	_ =	sdelay $0x3  }
0x7f: {  	v3 =	vld.idx.msk [tilespmem:v3+s18+$0x0], $0xffff  }
0x80: {  	v2 =	vld.idx.msk [tilespmem:v2+s18+$0x0], $0xffff;
	_ =	sdelay $0x2  }
0x81: {  	s31 =	sand.u32 $0x7F80, s3  }
0x82: {  	[tilespmem:s31+$0x10600] =	vst v3  }
0x83: {  	[tilespmem:s31+$0x10610] =	vst v2  }
0x84: {  	v2 =	vld [tilespmem:s1+$0x0];
	_ =	sdelay $0x4  }
0x85: {  	(v2sf) =	vpush v2, $0x0;
	_ =	sdelay $0xd  }
0x86: {  	s22 =	sadd.s32 $0x1, s22  }
0x87: {  	p1 =	sge.s32 s22, s23;
	s0 =	spop (v2sf)  }
0x88: {  	p2 =	slt.s32 @!p1 s0, $0xF4241  }
0x89: {  	p2 =	por p1, !p2  }
.Ltmp9:
0x8a: {  	_ = 	snop;
	(pc) =	sbr.rel @!p2 .LBB2_12-.Ltmp9, $2  }
0x8b: {  	_ =	sdelay $0x2  }
0x8c: {  	s3 =	sadd.s32 $0x80, s3;
	s1 =	sadd.s32 $0x1, s1  }
.Ltmp10:
0x8d: {  	(pc) =	sbr.rel .LBB2_14-.Ltmp10, $2  }
0x8e: {  	_ =	sdelay $0x2  }
0x8f: {  	s22 =	smov.u32 @p1 s22  }
.LBB2_10:
0x90: {  	s22 =	smov.u32 @p1 s22  }
.LBB2_14:
0x91: {  	s0 =	ssub.s32 s22, s26  }
0x92: {  	p1 =	slt.s32 s0, $0x80  }
0x93: {  	s0 =	sshll.u32 @!p1 s26, $0x7  }
0x94: {  	s1 =	sadd.s32 @!p1 $0x4D8000, s0  }
0x95: {  	s0 =	sand.u32 @!p1 $0x4000, s0;
	s1 =	sshrl.u32 @!p1 s1, $0x3  }
0x96: {  	s3 =	simm.s32 @!p1 $0x0;
	s0 =	sor.u32 @!p1 $0x10600, s0;
	s1 =	sadd.s32 @!p1 s9, s1  }
0x97: {  	[hbm4b:s1+s3] =	stream.linear.scatter @!p1 [tilespmem:s0], [sflag:$0x2], $0x4000, $0x38;
	[tilespmem:$0x18600] =	vst v63  }
0x98: {  	s0 =	sadd.s32 @!p1 $0x80, s26  }
0x99: {  	s1 =	ssub.s32 @!p1 s22, s0  }
0x9a: {  	p2 =	slt.s32 @!p1 s1, $0x80  }
0x9b: {  	p3 =	por p2, p1  }
0x9c: {  	s1 =	sshll.u32 @!p3 s0, $0x7  }
0x9d: {  	s3 =	sadd.s32 @!p3 $0x4D8000, s1  }
0x9e: {  	s1 =	sand.u32 @!p3 $0x4000, s1;
	s3 =	sshrl.u32 @!p3 s3, $0x3  }
0x9f: {  	s23 =	simm.s32 @!p3 $0x0;
	s1 =	sor.u32 @!p3 $0x10600, s1;
	s3 =	sadd.s32 @!p3 s9, s3  }
0xa0: {  	[hbm4b:s3+s23] =	stream.linear.scatter @!p3 [tilespmem:s1], [sflag:$0x2], $0x4000, $0x38;
	[tilespmem:$0x18600] =	vst v63  }
0xa1: {  	p2 =	por !p2, p1;
	s1 =	sadd.s32 @!p3 $0x100, s26  }
0xa2: {  	s0 =	smov.u32 @p2 s1  }
0xa3: {  	s0 =	smov.u32 @p1 s26  }
0xa4: {  	s26 =	smov.u32 s0  }
.LBB2_15:
0xa5: {  	p1 =	sge.s32 s26, s22  }
0xa6: {  	s0 =	sshll.u32 @!p1 s26, $0x7;
	s1 =	sadd.s32 @!p1 s12, s26  }
0xa7: {  	s0 =	sand.u32 @!p1 $0x4000, s0;
	s1 =	sshll.u32 @!p1 s1, $0x4  }
0xa8: {  	s3 =	simm.s32 @!p1 $0x0;
	s0 =	sor.u32 @!p1 $0x10600, s0;
	s1 =	sadd.s32 @!p1 s9, s1  }
0xa9: {  	[hbm4b:s1+s3] =	stream.linear.scatter @!p1 [tilespmem:s0], [sflag:$0x2], $0x4000, $0x38;
	[tilespmem:$0x18600] =	vst v63  }
0xaa: {  	s0 =	sadd.s32 @!p1 $0x80, s26  }
0xab: {  	s0 =	smov.u32 @p1 s26  }
0xac: {  	p1 =	sge.s32 s0, s22  }
0xad: {  	s1 =	sshll.u32 @!p1 s0, $0x7;
	s3 =	sadd.s32 @!p1 s12, s0  }
0xae: {  	s1 =	sand.u32 @!p1 $0x4000, s1;
	s3 =	sshll.u32 @!p1 s3, $0x4  }
0xaf: {  	s23 =	simm.s32 @!p1 $0x0;
	s1 =	sor.u32 @!p1 $0x10600, s1;
	s3 =	sadd.s32 @!p1 s9, s3  }
0xb0: {  	[hbm4b:s3+s23] =	stream.linear.scatter @!p1 [tilespmem:s1], [sflag:$0x2], $0x4000, $0x38;
	[tilespmem:$0x18600] =	vst v63  }
0xb1: {  	s1 =	sadd.s32 @!p1 $0x80, s0  }
0xb2: {  	s1 =	smov.u32 @p1 s0  }
0xb3: {  	p1 =	sge.s32 s1, s22  }
0xb4: {  	s0 =	sshll.u32 @!p1 s1, $0x7;
	s3 =	sadd.s32 @!p1 s12, s1  }
0xb5: {  	s0 =	sand.u32 @!p1 $0x4000, s0;
	s3 =	sshll.u32 @!p1 s3, $0x4  }
0xb6: {  	s23 =	simm.s32 @!p1 $0x0;
	s0 =	sor.u32 @!p1 $0x10600, s0;
	s3 =	sadd.s32 @!p1 s9, s3  }
0xb7: {  	[hbm4b:s3+s23] =	stream.linear.scatter @!p1 [tilespmem:s0], [sflag:$0x2], $0x4000, $0x38;
	[tilespmem:$0x18600] =	vst v63  }
0xb8: {  	s0 =	sadd.s32 @!p1 $0x80, s1  }
0xb9: {  	s0 =	smov.u32 @p1 s1  }
0xba: {  	p1 =	sge.s32 s0, s22  }
0xbb: {  	s1 =	sshll.u32 @!p1 s0, $0x7;
	s3 =	sadd.s32 @!p1 s12, s0  }
0xbc: {  	s1 =	sand.u32 @!p1 $0x4000, s1;
	s3 =	sshll.u32 @!p1 s3, $0x4  }
0xbd: {  	s23 =	simm.s32 @!p1 $0x0;
	s1 =	sor.u32 @!p1 $0x10600, s1;
	s3 =	sadd.s32 @!p1 s9, s3  }
0xbe: {  	[hbm4b:s3+s23] =	stream.linear.scatter @!p1 [tilespmem:s1], [sflag:$0x2], $0x4000, $0x38;
	[tilespmem:$0x18600] =	vst v63  }
0xbf: {  	s1 =	sadd.s32 @!p1 $0x80, s0  }
0xc0: {  	s1 =	smov.u32 @p1 s0  }
0xc1: {  	p1 =	sge.s32 s1, s22  }
0xc2: {  	s0 =	sshll.u32 @!p1 s1, $0x7;
	s3 =	sadd.s32 @!p1 s12, s1  }
0xc3: {  	s0 =	sand.u32 @!p1 $0x4000, s0;
	s3 =	sshll.u32 @!p1 s3, $0x4  }
0xc4: {  	s23 =	simm.s32 @!p1 $0x0;
	s0 =	sor.u32 @!p1 $0x10600, s0;
	s3 =	sadd.s32 @!p1 s9, s3  }
0xc5: {  	[hbm4b:s3+s23] =	stream.linear.scatter @!p1 [tilespmem:s0], [sflag:$0x2], $0x4000, $0x38;
	[tilespmem:$0x18600] =	vst v63  }
0xc6: {  	s0 =	sadd.s32 @!p1 $0x80, s1  }
0xc7: {  	s0 =	smov.u32 @p1 s1  }
0xc8: {  	p1 =	sge.s32 s0, s22  }
0xc9: {  	s1 =	sshll.u32 @!p1 s0, $0x7;
	s3 =	sadd.s32 @!p1 s12, s0  }
0xca: {  	s1 =	sand.u32 @!p1 $0x4000, s1;
	s3 =	sshll.u32 @!p1 s3, $0x4  }
0xcb: {  	s23 =	simm.s32 @!p1 $0x0;
	s1 =	sor.u32 @!p1 $0x10600, s1;
	s3 =	sadd.s32 @!p1 s9, s3  }
0xcc: {  	[hbm4b:s3+s23] =	stream.linear.scatter @!p1 [tilespmem:s1], [sflag:$0x2], $0x4000, $0x38;
	[tilespmem:$0x18600] =	vst v63  }
0xcd: {  	s1 =	sadd.s32 @!p1 $0x80, s0  }
0xce: {  	s1 =	smov.u32 @p1 s0  }
0xcf: {  	p1 =	sge.s32 s1, s22  }
0xd0: {  	s0 =	sshll.u32 @!p1 s1, $0x7;
	s3 =	sadd.s32 @!p1 s12, s1  }
0xd1: {  	s0 =	sand.u32 @!p1 $0x4000, s0;
	s3 =	sshll.u32 @!p1 s3, $0x4  }
0xd2: {  	s23 =	simm.s32 @!p1 $0x0;
	s0 =	sor.u32 @!p1 $0x10600, s0;
	s3 =	sadd.s32 @!p1 s9, s3  }
0xd3: {  	[hbm4b:s3+s23] =	stream.linear.scatter @!p1 [tilespmem:s0], [sflag:$0x2], $0x4000, $0x38;
	[tilespmem:$0x18600] =	vst v63  }
0xd4: {  	s0 =	sadd.s32 @!p1 $0x80, s1  }
0xd5: {  	s0 =	smov.u32 @p1 s1  }
0xd6: {  	p1 =	sge.s32 s0, s22  }
0xd7: {  	s1 =	sshll.u32 @!p1 s0, $0x7;
	s3 =	sadd.s32 @!p1 s12, s0  }
0xd8: {  	s1 =	sand.u32 @!p1 $0x4000, s1;
	s3 =	sshll.u32 @!p1 s3, $0x4  }
0xd9: {  	s23 =	simm.s32 @!p1 $0x0;
	s1 =	sor.u32 @!p1 $0x10600, s1;
	s3 =	sadd.s32 @!p1 s9, s3  }
0xda: {  	[hbm4b:s3+s23] =	stream.linear.scatter @!p1 [tilespmem:s1], [sflag:$0x2], $0x4000, $0x38;
	[tilespmem:$0x18600] =	vst v63  }
0xdb: {  	s1 =	sadd.s32 @!p1 $0x80, s0  }
0xdc: {  	s1 =	smov.u32 @p1 s0  }
0xdd: {  	p1 =	sge.s32 s1, s22  }
0xde: {  	s0 =	sshll.u32 @!p1 s1, $0x7;
	s3 =	sadd.s32 @!p1 s12, s1  }
0xdf: {  	s0 =	sand.u32 @!p1 $0x4000, s0;
	s3 =	sshll.u32 @!p1 s3, $0x4  }
0xe0: {  	s23 =	simm.s32 @!p1 $0x0;
	s0 =	sor.u32 @!p1 $0x10600, s0;
	s3 =	sadd.s32 @!p1 s9, s3  }
0xe1: {  	[hbm4b:s3+s23] =	stream.linear.scatter @!p1 [tilespmem:s0], [sflag:$0x2], $0x4000, $0x38;
	[tilespmem:$0x18600] =	vst v63  }
0xe2: {  	s0 =	sadd.s32 @!p1 $0x80, s1  }
0xe3: {  	s0 =	smov.u32 @p1 s1  }
0xe4: {  	p1 =	sge.s32 s0, s22  }
0xe5: {  	s1 =	sshll.u32 @!p1 s0, $0x7;
	s3 =	sadd.s32 @!p1 s12, s0  }
0xe6: {  	s1 =	sand.u32 @!p1 $0x4000, s1;
	s3 =	sshll.u32 @!p1 s3, $0x4  }
0xe7: {  	s22 =	simm.s32 @!p1 $0x0;
	s1 =	sor.u32 @!p1 $0x10600, s1;
	s3 =	sadd.s32 @!p1 s9, s3  }
0xe8: {  	[hbm4b:s3+s22] =	stream.linear.scatter @!p1 [tilespmem:s1], [sflag:$0x2], $0x4000, $0x38;
	[tilespmem:$0x18600] =	vst v63  }
0xe9: {  	s22 =	sadd.s32 @!p1 $0x80, s0  }
0xea: {  	s22 =	smov.u32 @p1 s0  }
0xeb: {  	p1 =	slt.s32 s22, $0x1  }
0xec: {  	s0 =	simm.s32 @!p1 $0x2  }
0xed: {  	p2 =	slt.u32 @!p1 s22, $0x81;
	_ =	swait.ge @!p1 [sflag:s0], $0x4000  }
0xee: {  	p2 =	por p1, p2;
	[sflag:s0] =	ssyncset.done @!p1 $0x0  }
0xef: {  	[sflag:s0] =	ssyncadd.s32 @!p1 $0xFFFFC000;
	s0 =	simm.s32 @!p2 $0x2  }
0xf0: {  	p1 =	slt.u32 @!p2 s22, $0x101;
	_ =	swait.ge @!p2 [sflag:s0], $0x4000  }
0xf1: {  	p1 =	por p2, p1;
	[sflag:s0] =	ssyncset.done @!p2 $0x0  }
0xf2: {  	[sflag:s0] =	ssyncadd.s32 @!p2 $0xFFFFC000;
	s0 =	simm.s32 @!p1 $0x2  }
0xf3: {  	p2 =	slt.u32 @!p1 s22, $0x181;
	_ =	swait.ge @!p1 [sflag:s0], $0x4000  }
0xf4: {  	p2 =	por p1, p2;
	[sflag:s0] =	ssyncset.done @!p1 $0x0  }
0xf5: {  	[sflag:s0] =	ssyncadd.s32 @!p1 $0xFFFFC000;
	p1 =	slt.u32 @!p2 s22, $0x201  }
0xf6: {  	p1 =	por p2, p1  }
.Ltmp11:
0xf7: {  	_ = 	snop;
	(pc) =	sbr.rel @p1 .LBB2_17-.Ltmp11, $4  }
0xf8: {  	s0 =	simm.s32 @!p2 $0x2  }
0xf9: {  	_ =	swait.ge @!p2 [sflag:s0], $0x4000  }
0xfa: {  	[sflag:s0] =	ssyncset.done @!p2 $0x0  }
0xfb: {  	[sflag:s0] =	ssyncadd.s32 @!p2 $0xFFFFC000  }
0xfc: {  	p1 =	slt.u32 s22, $0x281  }
0xfd: {  	p2 =	slt.u32 @!p1 s22, $0x301  }
0xfe: {  	p3 =	por p2, p1  }
0xff: {  	_ =	swait.ge [sflag:s20], $0x4000;
	p4 =	slt.u32 @!p3 s22, $0x381  }
0x100: {  	[sflag:s20] =	ssyncset.done $0x0;
	s1 =	simm.s32 @!p4 $0x0;
	p5 =	por @!p1 p4, p2  }
0x101: {  	s0 =	simm.s32 @!p1 $0x2;
	s1 =	simm.s32 @p4 $0x1;
	p5 =	por p5, p1  }
0x102: {  	[sflag:s20] =	ssyncadd.s32 $0xFFFFC000;
	[smem:$0x7FC] =	sst s1;
	p0 =	slt.u32 @!p5 s22, $0x401  }
0x103: {  	_ =	swait.ge @!p1 [sflag:s0], $0x4000;
	s1 =	simm.s32 @!p0 $0x0  }
0x104: {  	[sflag:s0] =	ssyncset.done @!p1 $0x0;
	s1 =	simm.s32 @p0 $0x1  }
0x105: {  	[sflag:s0] =	ssyncadd.s32 @!p1 $0xFFFFC000;
	s0 =	simm.s32 @!p3 $0x2;
	[smem:$0x7FB] =	sst s1  }
0x106: {  	_ =	swait.ge @!p3 [sflag:s0], $0x4000  }
0x107: {  	[sflag:s0] =	ssyncset.done @!p3 $0x0  }
0x108: {  	[sflag:s0] =	ssyncadd.s32 @!p3 $0xFFFFC000;
	s0 =	simm.s32 @!p5 $0x2  }
0x109: {  	_ =	swait.ge @!p5 [sflag:s0], $0x4000  }
0x10a: {  	p0 =	por @!p3 p0, p4;
	s29 =	sld [smem:$0x7FB]  }
0x10b: {  	p0 =	por @!p1 p0, p2;
	s30 =	sld [smem:$0x7FC]  }
0x10c: {  	p0 =	por p0, p1  }
0x10d: {  	p6 =	slt.u32 @!p0 s22, $0x481;
	p4 =	seq.s32 s29, $0x1  }
0x10e: {  	[sflag:s0] =	ssyncset.done @!p5 $0x0;
	p6 =	por @!p5 p6, p4;
	p4 =	seq.s32 s30, $0x1  }
0x10f: {  	[sflag:s0] =	ssyncadd.s32 @!p5 $0xFFFFC000;
	s0 =	simm.s32 @!p0 $0x2;
	p3 =	por @!p3 p6, p4  }
0x110: {  	s31 =	sld [smem:$0x7FD];
	_ =	swait.ge @!p0 [sflag:s0], $0x4000;
	p2 =	por @!p1 p3, p2  }
.Ltmp12:
0x111: {  	[sflag:s0] =	ssyncset.done @!p0 $0x0;
	p1 =	por p2, p1;
	(pc) =	sbr.rel .LBB2_17-.Ltmp12, $4  }
0x112: {  	[sflag:s0] =	ssyncadd.s32 @!p0 $0xFFFFC000;
	s0 =	simm.s32 @!p1 $0x2  }
0x113: {  	_ =	swait.ge @!p1 [sflag:s0], $0x4000  }
0x114: {  	[sflag:s0] =	ssyncset.done @!p1 $0x0  }
0x115: {  	p4 =	seq.s32 s31, $0x1;
	[sflag:s0] =	ssyncadd.s32 @!p1 $0xFFFFC000  }
.LBB2_18:
0x116: {  	_ =	sfence.sel $0x180000  }
0x117: {  	[bflag:$0x0] =	sbarrier.arrive $0xFFFF  }
0x118: {  	_ =	strace $0x9000004A  }
0x119: {  	s0 =	stileid.u32;
	[bflag:$0x2] =	sbarrier.arrive $0xFFFF  }
0x11a: {  	p0 =	sne.s32 s0, $0x0;
	s0 =	rddreg [dreg:$0x3]  }
0x11b: {  	s0 =	sadd.s32 @!p0 $0x100000, s0  }
0x11c: {  	[sflag:s0] =	ssyncadd.tile.s32 @!p0 $0x1;
	_ =	shalt  }
.Lfunc_end2:
_tile_overlayer_lowered:
.L_overlay_start_2:
0x11d: {  	(tag) =	ssettag $0x2  }
0x11e: {  	s0 =	rddreg [dreg:$0x0];
	s2 =	stileid.u32  }
0x11f: {  	s1 =	rddreg [dreg:$0x1];
	p0 =	sne.s32 s2, $0x0  }
0x120: {  	s3 =	rddreg [dreg:$0x2];
	[bflag:$0x3] =	sbarrier.arrive $0xFFFF;
	s2 =	simm.s32 @!p0 $0x1C03  }
0x121: {  	[timem:s3], [sflag:s2] =	dma.local @!p0 [hbm:s0], s1  }
0x122: {  	s0 =	simm.s32 @!p0 $0x3  }
0x123: {  	_ =	swait.ge @!p0 [sflag:s0], s1  }
0x124: {  	s1 =	ssub.s32 @!p0 $0x0, s1;
	[sflag:s0] =	ssyncset.done @!p0 $0x0  }
0x125: {  	[sflag:s0] =	ssyncadd.s32 @!p0 s1  }
0x126: {  	[bflag:$0x3] =	sbarrier.arrive $0xFFFF  }
0x127: {  	_ =	shalt  }

// kernel: kernel.8.cloned.1.call-start
scs
__scs_entry_jumppad:
0x0: {  	(pc) =	sbr.rel $0x88, $3  }
0x1: {  	(tag) =	ssettag $0x0;
	lr =	simm.s32 $0x1  }
0x2: {  	[smem:$0x3F9F] =	sst lr;
	_ =	strace $0xD0000000  }
0x3: {  	_ = 	snop  }
0x4: {  	_ = 	snop  }
0x5: {  	_ = 	snop  }
0x6: {  	_ = 	snop  }
0x7: {  	_ = 	snop  }
__scs_overlays_trampoline_lowered:
0x8: {  	[smem:$0x3FAE] =	sst s0  }
0x9: {  	[smem:$0x3FAF] =	sst s1  }
0xa: {  	[smem:$0x3FB0] =	sst s2  }
0xb: {  	[smem:$0x3FB1] =	sst s3  }
0xc: {  	[smem:$0x3FB2] =	sst s4  }
0xd: {  	[smem:$0x3FB3] =	sst s5  }
0xe: {  	[smem:$0x3FB4] =	sst s6  }
0xf: {  	[smem:$0x3FB5] =	sst s7  }
0x10: {  	[smem:$0x3FB6] =	sst s8  }
0x11: {  	[smem:$0x3FB7] =	sst s9;
	s0 =	simm.s32 @!p0 $0x0  }
0x12: {  	s1 =	sld [smem:$0x3F9D];
	s0 =	simm.s32 @p0 $0x1  }
0x13: {  	[smem:$0x3FB8] =	sst s0;
	s0 =	simm.s32 @!p1 $0x0  }
0x14: {  	s2 =	sld [smem:$0x3F9C];
	s0 =	simm.s32 @p1 $0x1  }
0x15: {  	[smem:$0x3FB9] =	sst s0;
	s0 =	simm.s32 @!p2 $0x0  }
0x16: {  	s3 =	sld [smem:$0x3FDB];
	s0 =	simm.s32 @p2 $0x1  }
0x17: {  	s4 =	simm.s32 $0x1BF5;
	[smem:$0x3FBB] =	sst s0  }
0x18: {  	s0 =	sld [smem:$0x3F9E];
	_ =	swait.ge [sflag:s4], $0x0  }
0x19: {  	s7 =	sld [smem:$0x3F9F]  }
0x1a: {  	s8 =	sadd.s32 $0xFFFFE003, lr  }
0x1b: {  	s9 =	sadd.s32 $0xFFFFFEF7, lr;
	s5 =	simm.s32 $0xFFFFFFFF;
	p2 =	slt.u32 s8, $0xFFFFF086  }
0x1c: {  	p1 =	slt.u32 s9, $0xF7A;
	s5 =	simm.s32 @!p2 $0x0  }
0x1d: {  	s5 =	simm.s32 @p1 $0x1;
	p0 =	seq.s32 s7, s2  }
0x1e: {  	s7 =	smul.u32 @!p0 $0xF7A, s2;
	p2 =	seq.s32 @!p0 s5, $0x0  }
0x1f: {  	s9 =	smul.u32 $0xF7A, s1;
	s8 =	simm.s32 @!p0 $0x1BF5;
	p2 =	por !p2, p0  }
0x20: {  	[sflag:s8] =	ssyncset.s32 @!p0 $0xFFFFF086;
	s6 =	sadd.s32 @!p0 s3, s7;
	s7 =	simm.s32 @!p0 $0x108  }
0x21: {  	s3 =	sadd.s32 s3, s9;
	s6 =	sadd.s32 @!p0 $0x88, s6;
	s7 =	simm.s32 @p2 $0x1082  }
0x22: {  	[simem:s7], [sflag:s8] =	dma.local @!p0 [hbm:s6], $0xF7A  }
0x23: {  	s9 =	sor.u32 $0xD0000000, s2;
	s6 =	simm.s32 $0x108;
	_ =	swait.ge @!p0 [sflag:s8], $0x0  }
0x24: {  	s3 =	sadd.s32 $0x88, s3;
	s6 =	simm.s32 @!p1 $0x1082;
	[sflag:s4] =	ssyncset.s32 $0xFFFFF086  }
0x25: {  	[simem:s6], [sflag:s4] =	dma.local [hbm:s3], $0xF7A  }
0x26: {  	[smem:$0x3F9F] =	sst s1;
	(tag) =	ssettag s2;
	_ =	strace s9  }
0x27: {  	s1 =	sld [smem:$0x3FAF]  }
0x28: {  	s2 =	sld [smem:$0x3FB0]  }
0x29: {  	s4 =	sld [smem:$0x3FB2]  }
0x2a: {  	p0 =	seq.s32 s5, $0x0;
	s5 =	sld [smem:$0x3FB3]  }
0x2b: {  	s6 =	sld [smem:$0x3FB4]  }
0x2c: {  	s7 =	sld [smem:$0x3FB5]  }
0x2d: {  	s3 =	simm.s32 $0x108;
	s8 =	sld [smem:$0x3FB6]  }
0x2e: {  	s3 =	simm.s32 @!p0 $0x1082;
	s9 =	sld [smem:$0x3FB7]  }
0x2f: {  	lr =	sadd.s32 s0, s3;
	s0 =	sld [smem:$0x3FAE]  }
0x30: {  	s3 =	sld [smem:$0x3FB1]  }
0x31: {  	[smem:$0x3FBA] =	sst s10  }
0x32: {  	s10 =	sld [smem:$0x3FB8];
	_ =	sdelay $0x3  }
0x33: {  	p0 =	seq.s32 s10, $0x1;
	s10 =	sld [smem:$0x3FBA];
	_ =	sdelay $0x3  }
0x34: {  	[smem:$0x3FBA] =	sst s10  }
0x35: {  	s10 =	sld [smem:$0x3FB9];
	_ =	sdelay $0x3  }
0x36: {  	p1 =	seq.s32 s10, $0x1;
	s10 =	sld [smem:$0x3FBA];
	_ =	sdelay $0x3  }
0x37: {  	[smem:$0x3FBA] =	sst s10  }
0x38: {  	s10 =	sld [smem:$0x3FBB]  }
0x39: {  	_ = 	snop;
	(pc) =	sbr.ind lr, $3  }
0x3a: {  	_ = 	snop  }
0x3b: {  	_ = 	snop  }
0x3c: {  	p2 =	seq.s32 s10, $0x1;
	s10 =	sld [smem:$0x3FBA]  }
0x3d: {  	_ =	shalt  }
0x3e: {  	_ =	shalt  }
0x3f: {  	_ =	shalt  }
0x40: {  	_ =	shalt  }
0x41: {  	_ =	shalt  }
0x42: {  	_ =	shalt  }
0x43: {  	_ =	shalt  }
0x44: {  	_ =	shalt  }
0x45: {  	_ =	shalt  }
0x46: {  	_ =	shalt  }
0x47: {  	_ =	shalt  }
0x48: {  	_ =	shalt  }
0x49: {  	_ =	shalt  }
0x4a: {  	_ =	shalt  }
0x4b: {  	_ =	shalt  }
0x4c: {  	_ =	shalt  }
0x4d: {  	_ =	shalt  }
0x4e: {  	_ =	shalt  }
0x4f: {  	_ =	shalt  }
0x50: {  	_ =	shalt  }
0x51: {  	_ =	shalt  }
0x52: {  	_ =	shalt  }
0x53: {  	_ =	shalt  }
0x54: {  	_ =	shalt  }
0x55: {  	_ =	shalt  }
0x56: {  	_ =	shalt  }
0x57: {  	_ =	shalt  }
0x58: {  	_ =	shalt  }
0x59: {  	_ =	shalt  }
0x5a: {  	_ =	shalt  }
0x5b: {  	_ =	shalt  }
0x5c: {  	_ =	shalt  }
0x5d: {  	_ =	shalt  }
0x5e: {  	_ =	shalt  }
0x5f: {  	_ =	shalt  }
0x60: {  	_ =	shalt  }
0x61: {  	_ =	shalt  }
0x62: {  	_ =	shalt  }
0x63: {  	_ =	shalt  }
0x64: {  	_ =	shalt  }
0x65: {  	_ =	shalt  }
0x66: {  	_ =	shalt  }
0x67: {  	_ =	shalt  }
0x68: {  	_ =	shalt  }
0x69: {  	_ =	shalt  }
0x6a: {  	_ =	shalt  }
0x6b: {  	_ =	shalt  }
0x6c: {  	_ =	shalt  }
0x6d: {  	_ =	shalt  }
0x6e: {  	_ =	shalt  }
0x6f: {  	_ =	shalt  }
0x70: {  	_ =	shalt  }
0x71: {  	_ =	shalt  }
0x72: {  	_ =	shalt  }
0x73: {  	_ =	shalt  }
0x74: {  	_ =	shalt  }
0x75: {  	_ =	shalt  }
0x76: {  	_ =	shalt  }
0x77: {  	_ =	shalt  }
0x78: {  	_ =	shalt  }
0x79: {  	_ =	shalt  }
0x7a: {  	_ =	shalt  }
0x7b: {  	_ =	shalt  }
0x7c: {  	_ =	shalt  }
0x7d: {  	_ =	shalt  }
0x7e: {  	_ =	shalt  }
0x7f: {  	_ =	shalt  }
0x80: {  	_ =	shalt  }
0x81: {  	_ =	shalt  }
0x82: {  	_ =	shalt  }
0x83: {  	_ =	shalt  }
0x84: {  	_ =	shalt  }
0x85: {  	_ =	shalt  }
0x86: {  	_ =	shalt  }
0x87: {  	_ =	shalt  }
.Lfunc_end0:
.L_simem_size_0:
called_computation.1_lowered:
.L_overlay_start_0:
0x88: {  	s2 =	sld [smem:$0x3FD9]  }
0x89: {  	s3 =	sld [smem:$0x3FFE];
	_ =	sdelay $0x1  }
0x8a: {  	s1 =	srdreg.scid  }
0x8b: {  	s0 =	sand.u32 $0x1, s1  }
0x8c: {  	s17 =	sshll.u32 s0, $0xA;
	s2 =	sadd.s32 s3, s2  }
0x8d: {  	s2 =	sadd.s32 s2, s17  }
0x8e: {  	[smem:$0x3FC6] =	sst s2  }
0x8f: {  	_ = 	snop  }
0x90: {  	s2 =	sld [smem:$0x3FD0];
	(tm) =	ssettm $0x1  }
0x91: {  	s18 =	sld [smem:$0x3FFB];
	_ =	sdelay $0x3  }
0x92: {  	_ =	strace s18  }
0x93: {  	s3 =	sld [smem:$0x3FFC];
	_ =	sdelay $0x3  }
0x94: {  	_ =	strace s3  }
0x95: {  	s3 =	sld [smem:$0x3FFD];
	_ =	sdelay $0x3  }
0x96: {  	_ =	strace s3  }
0x97: {  	_ =	strace $0x8FFFFFFF  }
0x98: {  	s19 =	sld [smem:$0x3FDB];
	_ =	sdelay $0x1  }
0x99: {  	s4 =	simm.s32 $_scs_section_size  }
0x9a: {  	s5 =	simm.s32 $_size__tile_overlayer_lowered;
	s6 =	simm.s32 $_tile_overlayer_lowered  }
0x9b: {  	s22 =	simm.s32 $0x1BFF;
	s21 =	sshll.u32 s6, $0x1;
	s3 =	sadd.s32 s4, s19  }
0x9c: {  	s7 =	simm.s32 $0x0;
	s20 =	sshll.u32 s5, $0x1;
	s5 =	sadd.s32 s21, s3  }
0x9d: {  	[timem:s7], [sflag:s22] =	dma.local [hbm:s5], s20  }
0x9e: {  	_ =	swait.ge [sflag:s22], s20  }
0x9f: {  	s4 =	ssub.s32 $0x0, s20;
	[sflag:s22] =	ssyncset.done $0x0  }
0xa0: {  	[sflag:s22] =	ssyncadd.s32 s4;
	_ =	sdelay $0x1  }
0xa1: {  	s23 =	simm.s32 $0x1B8B  }
0xa2: {  	_ =	swait.ge [sflag:s23], $0x1  }
0xa3: {  	[sflag:s23] =	ssyncset.done $0x0  }
0xa4: {  	s25 =	simm.s32 $0x1B8E;
	s24 =	sld [smem:$0x3FFE];
	[sflag:s23] =	ssyncadd.s32 $0xFFFFFFFF  }
0xa5: {  	s26 =	simm.s32 $execute0_lowered;
	[smem:$0x3FD2] =	sst s25  }
0xa6: {  	s5 =	sshll.u32 s26, $0x1;
	_ =	strace $0x80000046;
	[dreg:$0x1] =	wrdreg $0xFFFFFFFF  }
0xa7: {  	s28 =	simm.s32 $_size_execute0_lowered;
	s3 =	sadd.s32 s3, s5;
	[dreg:$0x0] =	wrdreg $0x0  }
0xa8: {  	s5 =	sshll.u32 s28, $0x1;
	[dreg:$0x2] =	wrdreg s3  }
0xa9: {  	[dreg:$0x3] =	wrdreg s5  }
0xaa: {  	[dreg:$0x4] =	wrdreg $0xC0  }
0xab: {  	_ =	task [dreg:s7], $0x5FFFF  }
0xac: {  	[dreg:$0x1] =	wrdreg $0xFFFFFFFF  }
0xad: {  	[dreg:$0x0] =	wrdreg $0x60  }
0xae: {  	[dreg:$0x2] =	wrdreg s24  }
0xaf: {  	[dreg:$0x3] =	wrdreg s2  }
0xb0: {  	[dreg:$0x4] =	wrdreg $0xA  }
0xb1: {  	_ =	task.clear_ibuf [dreg:s7], $0x5FFFF;
	_ =	strace $0x90000046  }
0xb2: {  	s29 =	simm.s32 $0xA;
	_ =	strace $0x80000048  }
0xb3: {  	_ =	swait.ge [sflag:s29], $0x1  }
0xb4: {  	[sflag:s29] =	ssyncadd.s32 $0xFFFFFFFF  }
0xb5: {  	_ =	strace $0x90000048  }
0xb6: {  	_ =	sfence  }
0xb7: {  	s30 =	sld [smem:$0x0];
	_ =	sdelay $0x2  }
0xb8: {  	s31 =	sshll.u32 s1, $0xD;
	s1 =	sshrl.u32 s1, $0x2  }
0xb9: {  	s3 =	sand.u32 $0x4000, s31;
	s1 =	sadd.s32 s1, s30  }
0xba: {  	s0 =	sor.u32 s3, s0;
	s1 =	sshll.u32 s1, $0x11  }
0xbb: {  	s0 =	sor.u32 s1, s0  }
0xbc: {  	s0 =	sadd.s32 $0x8F2B, s0  }
0xbd: {  	[sflag:s0] =	ssyncadd.remote.s32 $0x1  }
0xbe: {  	_ =	sfence.sel $0xFFFF  }
0xbf: {  	[dreg:$0x0] =	wrdreg $0xFFFFFFFF;
	(pc) =	sbr.abs _section_cstart, $3  }
0xc0: {  	[dreg:$0x1] =	wrdreg $0xFFFFFFFF  }
0xc1: {  	_ =	task.clear_ibuf [dreg:s7], $0x2FFFF;
	_ =	strace $0x9FFFFFFF  }
0xc2: {  	(tm) =	ssettm $0x7FFFFFFF  }
0xc3: {  	_ =	shalt  }
tec
execute0_lowered:
.L_overlay_start_1:
0x0: {  	(tag) =	ssettag $0x1  }
0x1: {  	s0 =	srdreg.scid  }
0x2: {  	s3 =	sand.u32 $0x1, s0;
	s0 =	stileid.u32  }
0x3: {  	s5 =	sshll.u32 s0, $0x1;
	s6 =	ssub.s32 $0x0, s3  }
0x4: {  	p0 =	sne.s32 s5, s6  }
.Ltmp0:
0x5: {  	_ = 	snop;
	(pc) =	sbr.rel @p0 .LBB2_7-.Ltmp0, $4  }
0x6: {  	_ = 	snop  }
0x7: {  	s4 =	rddreg [dreg:$0x0]  }
0x8: {  	s2 =	rddreg [dreg:$0x1]  }
0x9: {  	s1 =	rddreg [dreg:$0x2];
	_ =	strace $0x80000047  }
0xa: {  	s5 =	ssub.s32 $0x2, s3;
	s3 =	sadd.s32 $0xC00, s4  }
0xb: {  	s4 =	sadd.s32 $0x1C00, s4;
	s7 =	simm.s32 $0x1;
	s6 =	sshrl.u32 s5, $0x1  }
0xc: {  	s8 =	simm.s32 $0x8000;
	s9 =	simm.s32 $0x8080;
	s5 =	ssub.s32 s5, s6  }
0xd: {  	v0 =	vlaneseq.u32;
	v1 =	vimm.s32 $0x0;
	s10 =	simm.s32 $0x0;
	s6 =	simm.s32 $0x0;
	s5 =	smax.u32 s5, $0x1  }
.LBB2_2:
0xe: {  	[tilespmem:s6], [sflag:$0x1] =	stream.linear.gather [hbm4b:s3+s6], $0x8000, $0x38;
	[tilespmem:$0x10080] =	vst v63  }
0xf: {  	_ =	swait.ge [sflag:s7], $0x8000  }
0x10: {  	[sflag:s7] =	ssyncset.done $0x0  }
0x11: {  	[sflag:s7] =	ssyncadd.s32 $0xFFFF8000  }
0x12: {  	[tilespmem:s8], [sflag:$0x1] =	stream.linear.gather [hbm4b:s2+s6], $0x80, $0x38;
	[tilespmem:$0x10080] =	vst v63  }
0x13: {  	_ =	swait.ge [sflag:s7], $0x80  }
0x14: {  	[sflag:s7] =	ssyncset.done $0x0  }
0x15: {  	s12 =	simm.s32 $0x0;
	s11 =	simm.s32 $0x0;
	[sflag:s7] =	ssyncadd.s32 $0xFFFFFF80  }
.LBB2_4:
0x16: {  	v2 =	vld [tilespmem:s12+$0x8000];
	_ =	sdelay $0x3  }
0x17: {  	s13 =	sshll.u32 s11, $0x4  }
0x18: {  	v3 =	vld [tilespmem:s13+$0x0];
	v4 =	vbroadcast v2, $0x1  }
0x19: {  	v5 =	vor.u32 s13, v0  }
0x1a: {  	vm0 =	vge.s32 v5, v4  }
0x1b: {  	v2 =	vbroadcast v2, $0x0;
	v6 =	vsel vm0, $0x1, v1  }
0x1c: {  	v6 =	vadd.s32 s12, v6  }
0x1d: {  	v2 =	vsel vm0, v4, v2;
	v63 =	vmul.u32 $0x500, v6  }
0x1e: {  	s31 =	sshll.u32 s12, $0x2;
	v2 =	vsub.s32 v5, v2  }
0x1f: {  	s11 =	sadd.s32 $0x1, s11;
	s14 =	sshra.s32 s31, $0x2;
	v2 =	vadd.s32 v63, v2  }
0x20: {  	s13 =	sshll.u32 s11, $0x4;
	s14 =	sadd.s32 $0x8001, s14;
	s12 =	sadd.s32 $0xFFFFFFFF, s12;
	[tilespmem:v3+s9+$0x0] =	vst.idx.msk $0xffff, v2  }
.LBB2_5:
0x21: {  	v2 =	vld [tilespmem:s14+$0x0];
	_ =	sdelay $0x4  }
0x22: {  	(v2sf) =	vpush v2, $0x0;
	_ =	sdelay $0xe  }
0x23: {  	s15 =	spop (v2sf)  }
0x24: {  	p0 =	sgt.s32 s15, s13  }
.Ltmp1:
0x25: {  	_ = 	snop;
	(pc) =	sbr.rel @!p0 .LBB2_5-.Ltmp1, $2  }
0x26: {  	_ =	sdelay $0x2  }
0x27: {  	s12 =	sadd.s32 $0x1, s12;
	s14 =	sadd.s32 $0x1, s14  }
0x28: {  	p0 =	seq.s32 s11, $0x800  }
.Ltmp2:
0x29: {  	_ = 	snop;
	(pc) =	sbr.rel @!p0 .LBB2_4-.Ltmp2, $1  }
0x2a: {  	_ =	sdelay $0x3  }
0x2b: {  	s10 =	sadd.s32 $0x1, s10  }
0x2c: {  	p0 =	sne.s32 s10, s5  }
.Ltmp3:
0x2d: {  	_ = 	snop;
	(pc) =	sbr.rel @p0 .LBB2_2-.Ltmp3, $4  }
0x2e: {  	[hbm4b:s4+s6] =	stream.linear.scatter [tilespmem:s9], [sflag:$0x1], $0x8000, $0x38;
	[tilespmem:$0x10080] =	vst v63  }
0x2f: {  	_ =	swait.ge [sflag:s7], $0x8000  }
0x30: {  	[sflag:s7] =	ssyncset.done $0x0  }
0x31: {  	[sflag:s7] =	ssyncadd.s32 $0xFFFF8000  }
.LBB2_7:
0x32: {  	_ =	sfence.sel $0x180000  }
0x33: {  	[bflag:$0x0] =	sbarrier.arrive $0xFFFF  }
0x34: {  	p0 =	sne.s32 s0, $0x0;
	_ =	strace $0x90000047  }
0x35: {  	s0 =	sadd.s32 @!p0 $0x100000, s1;
	[bflag:$0x2] =	sbarrier.arrive $0xFFFF  }
0x36: {  	[sflag:s0] =	ssyncadd.tile.s32 @!p0 $0x1;
	_ =	shalt  }
.Lfunc_end2:
_tile_overlayer_lowered:
.L_overlay_start_2:
0x37: {  	(tag) =	ssettag $0x2  }
0x38: {  	s0 =	rddreg [dreg:$0x0];
	s2 =	stileid.u32  }
0x39: {  	s1 =	rddreg [dreg:$0x1];
	p0 =	sne.s32 s2, $0x0  }
0x3a: {  	s3 =	rddreg [dreg:$0x2];
	[bflag:$0x3] =	sbarrier.arrive $0xFFFF;
	s2 =	simm.s32 @!p0 $0x1C01  }
0x3b: {  	[timem:s3], [sflag:s2] =	dma.local @!p0 [hbm:s0], s1  }
0x3c: {  	s0 =	simm.s32 @!p0 $0x1  }
0x3d: {  	_ =	swait.ge @!p0 [sflag:s0], s1  }
0x3e: {  	s1 =	ssub.s32 @!p0 $0x0, s1;
	[sflag:s0] =	ssyncset.done @!p0 $0x0  }
0x3f: {  	[sflag:s0] =	ssyncadd.s32 @!p0 s1  }
0x40: {  	[bflag:$0x3] =	sbarrier.arrive $0xFFFF  }
0x41: {  	_ =	shalt  }

</sc_bundles>
